<compile_context>
chip_gen: v7x
topology: tpu7x:2x2x1
jax: 0.10.2.dev20260603
libtpu: 0.0.44.dev20260713+nightly
codegen_flags: <defaults>
</compile_context>

<pallas_src>
import jax
import jax.numpy as jnp
from jax import lax
from jax.experimental import pallas as pl
from jax.experimental.pallas import tpu as pltpu
from jax.experimental.pallas import tpu_sc as plsc

DIM = 100
FEAT = 32
BATCH = 16384
NUM_CORES = 2
NUM_SUBCORES = 16
NUM_WORKERS = NUM_CORES * NUM_SUBCORES
BPW = BATCH // NUM_WORKERS
SLABS = DIM * DIM
NBUF = 8
LANES = 16


def _lookup_body(i0_hbm, i1_hbm, i2_hbm, tab_hbm, out_hbm,
                 p_v, q_v, c_v, ring_v, stage_v, sems):
    wid = lax.axis_index("s") * NUM_CORES + lax.axis_index("c")
    base = pl.multiple_of(wid * BPW, BPW)
    pltpu.sync_copy(i0_hbm.at[pl.ds(base, BPW)], p_v.at[pl.ds(0, BPW)])
    pltpu.sync_copy(i1_hbm.at[pl.ds(base, BPW)], q_v)
    pltpu.sync_copy(i2_hbm.at[pl.ds(base, BPW)], c_v.at[pl.ds(0, BPW)])
    for k in range(BPW // LANES):
        s = pl.ds(k * LANES, LANES)
        p_v[s] = p_v[s] * DIM + q_v[s]

    f_lo = lax.iota(jnp.int32, LANES)
    f_hi = f_lo + LANES

    def fetch(l, slot):
        p = p_v[pl.ds(l, LANES)][0]
        pltpu.make_async_copy(
            tab_hbm.at[p], ring_v.at[slot], sems.at[slot]
        ).start()

    for j in range(NBUF):
        fetch(j, j)

    def group(g, carry):
        for j in range(NBUF):
            l = g * NBUF + j
            c = c_v[pl.ds(l, LANES)][0]
            c_vec = jnp.full((LANES,), c, jnp.int32)
            pltpu.make_async_copy(
                tab_hbm.at[0], ring_v.at[j], sems.at[j]
            ).wait()
            lo = plsc.load_gather(ring_v.at[j], [f_lo, c_vec])
            hi = plsc.load_gather(ring_v.at[j], [f_hi, c_vec])
            stage_v[l, pl.ds(0, LANES)] = lo
            stage_v[l, pl.ds(LANES, LANES)] = hi

            @pl.when(l + NBUF < BPW)
            def _():
                fetch(l + NBUF, j)

        return carry

    lax.fori_loop(0, BPW // NBUF, group, 0)
    pltpu.sync_copy(stage_v, out_hbm.at[pl.ds(base, BPW)])


@jax.jit
def _lookup(i0, i1, i2, table3d):
    mesh = plsc.VectorSubcoreMesh(core_axis_name="c", subcore_axis_name="s")
    return pl.kernel(
        _lookup_body,
        out_type=jax.ShapeDtypeStruct((BATCH, FEAT), jnp.float32),
        mesh=mesh,
        compiler_params=pltpu.CompilerParams(
            use_tc_tiling_on_sc=True, needs_layout_passes=False
        ),
        scratch_types=[
            pltpu.VMEM((BPW + LANES,), jnp.int32),
            pltpu.VMEM((BPW,), jnp.int32),
            pltpu.VMEM((BPW + LANES,), jnp.int32),
            pltpu.VMEM((NBUF, FEAT, DIM), jnp.float32),
            pltpu.VMEM((BPW, FEAT), jnp.float32),
            pltpu.SemaphoreType.DMA((NBUF,)),
        ],
    )(i0, i1, i2, table3d)


def kernel(indices, table):
    idx = indices.astype(jnp.int32)
    table3d = jnp.transpose(table, (0, 1, 3, 2)).reshape(SLABS, FEAT, DIM)
    return _lookup(idx[:, 0], idx[:, 1], idx[:, 2], table3d)

# --- scband reference (transcript-rebuilt; emitter-appended) ---
"""Pipeline reference for scband-learnable-lookup-table-12713103196175 (READ-ONLY COPY).

The authoritative reference and input builder live on the scoring server;
editing this copy changes nothing except your own understanding.
"""

import jax, jax.numpy as jnp
import numpy as np

DIMS = (100, 100, 100)
FEATURE_SIZE = 32
BATCH = 16384

def setup_inputs(seed: int = 0) -> dict:
    key = jax.random.key(seed)
    k_idx, k_tab = jax.random.split(key)
    indices = jax.random.randint(k_idx, (BATCH, 3), 0, 100, dtype=jnp.int64 if jax.config.jax_enable_x64 else jnp.int32)
    table = jax.random.normal(k_tab, (*DIMS, FEATURE_SIZE), dtype=jnp.float32)
    return {"indices": indices, "table": table}

def reference(indices, table):
    # Faithful translation of: self.table[indices[:,0], indices[:,1], indices[:,2]]
    return table[indices[:, 0], indices[:, 1], indices[:, 2]]

if __name__ == "__main__":
    import jax
    _d = setup_inputs()
    print(jax.jit(kernel)(*tuple(_d.values())))

</pallas_src>

<mosaic_0001>
#map = affine_map<(d0, d1) -> (0)>
#map1 = affine_map<(d0, d1) -> (0, 0, 0)>
#map2 = affine_map<(d0, d1) -> (0, 0)>
module attributes {stable_mosaic.version = 14 : i64} {
  func.func @_lookup_body(%arg0: i32, %arg1: i32, %arg2: memref<16384xi32, #tpu.memory_space<hbm>>, %arg3: memref<16384xi32, #tpu.memory_space<hbm>>, %arg4: memref<16384xi32, #tpu.memory_space<hbm>>, %arg5: memref<10000x32x100xf32, #tpu.memory_space<hbm>>, %arg6: memref<16384x32xf32, #tpu.memory_space<hbm>>, %arg7: memref<528xi32, #tpu.memory_space<vmem>>, %arg8: memref<512xi32, #tpu.memory_space<vmem>>, %arg9: memref<528xi32, #tpu.memory_space<vmem>>, %arg10: memref<8x32x100xf32, #tpu.memory_space<vmem>>, %arg11: memref<512x32xf32, #tpu.memory_space<vmem>>, %arg12: memref<8x!tpu.dma_semaphore, #tpu.memory_space<semaphore_mem>>) attributes {dimension_semantics = [#tpu.dimension_semantics<core_parallel>, #tpu.dimension_semantics<subcore_parallel>], iteration_bounds = array<i64: 2, 16>, scalar_prefetch = 0 : i64, scratch_operands = 6 : i64, tpu.core_type = #tpu.core_type<sc_vector_subcore>, window_params = [{transform_indices = #map}, {transform_indices = #map}, {transform_indices = #map}, {transform_indices = #map1}, {transform_indices = #map2}]} {
    %mul3A = arith.constant 2 : i32
    %mul3A_0 = arith.muli %arg1, %mul3A : i32
    %add3A = arith.addi %mul3A_0, %arg0 : i32
    %mul3A_1 = arith.constant 512 : i32
    %mul3A_2 = arith.muli %add3A, %mul3A_1 : i32
    %multiple_of3A = tpu.assume_multiple %mul3A_2, 512 : i32
    "tpu.region"() ({
      %run_scoped3A = tpu.sem_alloc : memref<!tpu.dma_semaphore, #tpu.memory_space<semaphore_mem>>
      %dma_start3A_518 = arith.constant 0 : i32
      %dma_start3A_519 = tpu.memref_slice %arg7[%dma_start3A_518] : memref<528xi32, #tpu.memory_space<vmem>> -> memref<512xi32, #tpu.memory_space<vmem>>
      %dma_start3A_520 = tpu.memref_slice %arg2[%multiple_of3A] : memref<16384xi32, #tpu.memory_space<hbm>> -> memref<512xi32, #tpu.memory_space<hbm>>
      %dma_start3A_521 = arith.constant 0 : i32
      %dma_start3A_522 = tpu.memref_slice %arg7[%dma_start3A_521] : memref<528xi32, #tpu.memory_space<vmem>> -> memref<512xi32, #tpu.memory_space<vmem>>
      %dma_start3A_523 = tpu.memref_slice %arg2[%multiple_of3A] : memref<16384xi32, #tpu.memory_space<hbm>> -> memref<512xi32, #tpu.memory_space<hbm>>
      tpu.enqueue_dma source(%dma_start3A_523 : memref<512xi32, #tpu.memory_space<hbm>>) target(%dma_start3A_522 : memref<512xi32, #tpu.memory_space<vmem>>) target_semaphore(%run_scoped3A : memref<!tpu.dma_semaphore, #tpu.memory_space<semaphore_mem>>)
      %dma_wait3A = arith.constant 0 : i32
      %dma_wait3A_524 = tpu.memref_slice %arg7[%dma_wait3A] : memref<528xi32, #tpu.memory_space<vmem>> -> memref<512xi32, #tpu.memory_space<vmem>>
      %dma_wait3A_525 = tpu.memref_slice %arg2[%multiple_of3A] : memref<16384xi32, #tpu.memory_space<hbm>> -> memref<512xi32, #tpu.memory_space<hbm>>
      %dma_wait3A_526 = arith.constant 0 : i32
      %dma_wait3A_527 = tpu.memref_slice %arg7[%dma_wait3A_526] : memref<528xi32, #tpu.memory_space<vmem>> -> memref<512xi32, #tpu.memory_space<vmem>>
      %dma_wait3A_528 = tpu.memref_slice %arg2[%multiple_of3A] : memref<16384xi32, #tpu.memory_space<hbm>> -> memref<512xi32, #tpu.memory_space<hbm>>
      tpu.wait_dma2 semaphore(%run_scoped3A : memref<!tpu.dma_semaphore, #tpu.memory_space<semaphore_mem>>) src(%dma_wait3A_528 : memref<512xi32, #tpu.memory_space<hbm>>) dst(%dma_wait3A_527 : memref<512xi32, #tpu.memory_space<vmem>>)
      tpu.yield
    }) : () -> ()
    "tpu.region"() ({
      %run_scoped3A = tpu.sem_alloc : memref<!tpu.dma_semaphore, #tpu.memory_space<semaphore_mem>>
      %dma_start3A_518 = tpu.memref_slice %arg3[%multiple_of3A] : memref<16384xi32, #tpu.memory_space<hbm>> -> memref<512xi32, #tpu.memory_space<hbm>>
      %dma_start3A_519 = tpu.memref_slice %arg3[%multiple_of3A] : memref<16384xi32, #tpu.memory_space<hbm>> -> memref<512xi32, #tpu.memory_space<hbm>>
      tpu.enqueue_dma source(%dma_start3A_519 : memref<512xi32, #tpu.memory_space<hbm>>) target(%arg8 : memref<512xi32, #tpu.memory_space<vmem>>) target_semaphore(%run_scoped3A : memref<!tpu.dma_semaphore, #tpu.memory_space<semaphore_mem>>)
      %dma_wait3A = tpu.memref_slice %arg3[%multiple_of3A] : memref<16384xi32, #tpu.memory_space<hbm>> -> memref<512xi32, #tpu.memory_space<hbm>>
      %dma_wait3A_520 = tpu.memref_slice %arg3[%multiple_of3A] : memref<16384xi32, #tpu.memory_space<hbm>> -> memref<512xi32, #tpu.memory_space<hbm>>
      tpu.wait_dma2 semaphore(%run_scoped3A : memref<!tpu.dma_semaphore, #tpu.memory_space<semaphore_mem>>) src(%dma_wait3A_520 : memref<512xi32, #tpu.memory_space<hbm>>) dst(%arg8 : memref<512xi32, #tpu.memory_space<vmem>>)
      tpu.yield
    }) : () -> ()
    "tpu.region"() ({
      %run_scoped3A = tpu.sem_alloc : memref<!tpu.dma_semaphore, #tpu.memory_space<semaphore_mem>>
      %dma_start3A_518 = arith.constant 0 : i32
      %dma_start3A_519 = tpu.memref_slice %arg9[%dma_start3A_518] : memref<528xi32, #tpu.memory_space<vmem>> -> memref<512xi32, #tpu.memory_space<vmem>>
      %dma_start3A_520 = tpu.memref_slice %arg4[%multiple_of3A] : memref<16384xi32, #tpu.memory_space<hbm>> -> memref<512xi32, #tpu.memory_space<hbm>>
      %dma_start3A_521 = arith.constant 0 : i32
      %dma_start3A_522 = tpu.memref_slice %arg9[%dma_start3A_521] : memref<528xi32, #tpu.memory_space<vmem>> -> memref<512xi32, #tpu.memory_space<vmem>>
      %dma_start3A_523 = tpu.memref_slice %arg4[%multiple_of3A] : memref<16384xi32, #tpu.memory_space<hbm>> -> memref<512xi32, #tpu.memory_space<hbm>>
      tpu.enqueue_dma source(%dma_start3A_523 : memref<512xi32, #tpu.memory_space<hbm>>) target(%dma_start3A_522 : memref<512xi32, #tpu.memory_space<vmem>>) target_semaphore(%run_scoped3A : memref<!tpu.dma_semaphore, #tpu.memory_space<semaphore_mem>>)
      %dma_wait3A = arith.constant 0 : i32
      %dma_wait3A_524 = tpu.memref_slice %arg9[%dma_wait3A] : memref<528xi32, #tpu.memory_space<vmem>> -> memref<512xi32, #tpu.memory_space<vmem>>
      %dma_wait3A_525 = tpu.memref_slice %arg4[%multiple_of3A] : memref<16384xi32, #tpu.memory_space<hbm>> -> memref<512xi32, #tpu.memory_space<hbm>>
      %dma_wait3A_526 = arith.constant 0 : i32
      %dma_wait3A_527 = tpu.memref_slice %arg9[%dma_wait3A_526] : memref<528xi32, #tpu.memory_space<vmem>> -> memref<512xi32, #tpu.memory_space<vmem>>
      %dma_wait3A_528 = tpu.memref_slice %arg4[%multiple_of3A] : memref<16384xi32, #tpu.memory_space<hbm>> -> memref<512xi32, #tpu.memory_space<hbm>>
      tpu.wait_dma2 semaphore(%run_scoped3A : memref<!tpu.dma_semaphore, #tpu.memory_space<semaphore_mem>>) src(%dma_wait3A_528 : memref<512xi32, #tpu.memory_space<hbm>>) dst(%dma_wait3A_527 : memref<512xi32, #tpu.memory_space<vmem>>)
      tpu.yield
    }) : () -> ()
    %get3A = arith.constant 0 : index
    %get3A_3 = tpu.vector_load %arg7[%get3A] {strides = array<i32>} : memref<528xi32, #tpu.memory_space<vmem>>, vector<16xi32>,
    %mul3A_4 = arith.constant 100 : i32
    %mul3A_5 = vector.broadcast %mul3A_4 : i32 to vector<16xi32>
    %mul3A_6 = arith.muli %get3A_3, %mul3A_5 : vector<16xi32>
    %get3A_7 = arith.constant 0 : index
    %get3A_8 = tpu.vector_load %arg8[%get3A_7] {strides = array<i32>} : memref<512xi32, #tpu.memory_space<vmem>>, vector<16xi32>,
    %add3A_9 = arith.addi %mul3A_6, %get3A_8 : vector<16xi32>
    %swap3A = arith.constant 0 : index
    %swap3A_10 = tpu.vector_load %arg7[%swap3A] {strides = array<i32>} : memref<528xi32, #tpu.memory_space<vmem>>, vector<16xi32>,
    tpu.vector_store %arg7[%swap3A], %add3A_9 {strides = array<i32>} : memref<528xi32, #tpu.memory_space<vmem>>, vector<16xi32>,
    %get3A_11 = arith.constant 16 : index
    %get3A_12 = tpu.vector_load %arg7[%get3A_11] {strides = array<i32>} : memref<528xi32, #tpu.memory_space<vmem>>, vector<16xi32>,
    %mul3A_13 = arith.constant 100 : i32
    %mul3A_14 = vector.broadcast %mul3A_13 : i32 to vector<16xi32>
    %mul3A_15 = arith.muli %get3A_12, %mul3A_14 : vector<16xi32>
    %get3A_16 = arith.constant 16 : index
    %get3A_17 = tpu.vector_load %arg8[%get3A_16] {strides = array<i32>} : memref<512xi32, #tpu.memory_space<vmem>>, vector<16xi32>,
    %add3A_18 = arith.addi %mul3A_15, %get3A_17 : vector<16xi32>
    %swap3A_19 = arith.constant 16 : index
    %swap3A_20 = tpu.vector_load %arg7[%swap3A_19] {strides = array<i32>} : memref<528xi32, #tpu.memory_space<vmem>>, vector<16xi32>,
    tpu.vector_store %arg7[%swap3A_19], %add3A_18 {strides = array<i32>} : memref<528xi32, #tpu.memory_space<vmem>>, vector<16xi32>,
    %get3A_21 = arith.constant 32 : index
    %get3A_22 = tpu.vector_load %arg7[%get3A_21] {strides = array<i32>} : memref<528xi32, #tpu.memory_space<vmem>>, vector<16xi32>,
    %mul3A_23 = arith.constant 100 : i32
    %mul3A_24 = vector.broadcast %mul3A_23 : i32 to vector<16xi32>
    %mul3A_25 = arith.muli %get3A_22, %mul3A_24 : vector<16xi32>
    %get3A_26 = arith.constant 32 : index
    %get3A_27 = tpu.vector_load %arg8[%get3A_26] {strides = array<i32>} : memref<512xi32, #tpu.memory_space<vmem>>, vector<16xi32>,
    %add3A_28 = arith.addi %mul3A_25, %get3A_27 : vector<16xi32>
    %swap3A_29 = arith.constant 32 : index
    %swap3A_30 = tpu.vector_load %arg7[%swap3A_29] {strides = array<i32>} : memref<528xi32, #tpu.memory_space<vmem>>, vector<16xi32>,
    tpu.vector_store %arg7[%swap3A_29], %add3A_28 {strides = array<i32>} : memref<528xi32, #tpu.memory_space<vmem>>, vector<16xi32>,
    %get3A_31 = arith.constant 48 : index
    %get3A_32 = tpu.vector_load %arg7[%get3A_31] {strides = array<i32>} : memref<528xi32, #tpu.memory_space<vmem>>, vector<16xi32>,
    %mul3A_33 = arith.constant 100 : i32
    %mul3A_34 = vector.broadcast %mul3A_33 : i32 to vector<16xi32>
    %mul3A_35 = arith.muli %get3A_32, %mul3A_34 : vector<16xi32>
    %get3A_36 = arith.constant 48 : index
    %get3A_37 = tpu.vector_load %arg8[%get3A_36] {strides = array<i32>} : memref<512xi32, #tpu.memory_space<vmem>>, vector<16xi32>,
    %add3A_38 = arith.addi %mul3A_35, %get3A_37 : vector<16xi32>
    %swap3A_39 = arith.constant 48 : index
    %swap3A_40 = tpu.vector_load %arg7[%swap3A_39] {strides = array<i32>} : memref<528xi32, #tpu.memory_space<vmem>>, vector<16xi32>,
    tpu.vector_store %arg7[%swap3A_39], %add3A_38 {strides = array<i32>} : memref<528xi32, #tpu.memory_space<vmem>>, vector<16xi32>,
    %get3A_41 = arith.constant 64 : index
    %get3A_42 = tpu.vector_load %arg7[%get3A_41] {strides = array<i32>} : memref<528xi32, #tpu.memory_space<vmem>>, vector<16xi32>,
    %mul3A_43 = arith.constant 100 : i32
    %mul3A_44 = vector.broadcast %mul3A_43 : i32 to vector<16xi32>
    %mul3A_45 = arith.muli %get3A_42, %mul3A_44 : vector<16xi32>
    %get3A_46 = arith.constant 64 : index
    %get3A_47 = tpu.vector_load %arg8[%get3A_46] {strides = array<i32>} : memref<512xi32, #tpu.memory_space<vmem>>, vector<16xi32>,
    %add3A_48 = arith.addi %mul3A_45, %get3A_47 : vector<16xi32>
    %swap3A_49 = arith.constant 64 : index
    %swap3A_50 = tpu.vector_load %arg7[%swap3A_49] {strides = array<i32>} : memref<528xi32, #tpu.memory_space<vmem>>, vector<16xi32>,
    tpu.vector_store %arg7[%swap3A_49], %add3A_48 {strides = array<i32>} : memref<528xi32, #tpu.memory_space<vmem>>, vector<16xi32>,
    %get3A_51 = arith.constant 80 : index
    %get3A_52 = tpu.vector_load %arg7[%get3A_51] {strides = array<i32>} : memref<528xi32, #tpu.memory_space<vmem>>, vector<16xi32>,
    %mul3A_53 = arith.constant 100 : i32
    %mul3A_54 = vector.broadcast %mul3A_53 : i32 to vector<16xi32>
    %mul3A_55 = arith.muli %get3A_52, %mul3A_54 : vector<16xi32>
    %get3A_56 = arith.constant 80 : index
    %get3A_57 = tpu.vector_load %arg8[%get3A_56] {strides = array<i32>} : memref<512xi32, #tpu.memory_space<vmem>>, vector<16xi32>,
    %add3A_58 = arith.addi %mul3A_55, %get3A_57 : vector<16xi32>
    %swap3A_59 = arith.constant 80 : index
    %swap3A_60 = tpu.vector_load %arg7[%swap3A_59] {strides = array<i32>} : memref<528xi32, #tpu.memory_space<vmem>>, vector<16xi32>,
    tpu.vector_store %arg7[%swap3A_59], %add3A_58 {strides = array<i32>} : memref<528xi32, #tpu.memory_space<vmem>>, vector<16xi32>,
    %get3A_61 = arith.constant 96 : index
    %get3A_62 = tpu.vector_load %arg7[%get3A_61] {strides = array<i32>} : memref<528xi32, #tpu.memory_space<vmem>>, vector<16xi32>,
    %mul3A_63 = arith.constant 100 : i32
    %mul3A_64 = vector.broadcast %mul3A_63 : i32 to vector<16xi32>
    %mul3A_65 = arith.muli %get3A_62, %mul3A_64 : vector<16xi32>
    %get3A_66 = arith.constant 96 : index
    %get3A_67 = tpu.vector_load %arg8[%get3A_66] {strides = array<i32>} : memref<512xi32, #tpu.memory_space<vmem>>, vector<16xi32>,
    %add3A_68 = arith.addi %mul3A_65, %get3A_67 : vector<16xi32>
    %swap3A_69 = arith.constant 96 : index
    %swap3A_70 = tpu.vector_load %arg7[%swap3A_69] {strides = array<i32>} : memref<528xi32, #tpu.memory_space<vmem>>, vector<16xi32>,
    tpu.vector_store %arg7[%swap3A_69], %add3A_68 {strides = array<i32>} : memref<528xi32, #tpu.memory_space<vmem>>, vector<16xi32>,
    %get3A_71 = arith.constant 112 : index
    %get3A_72 = tpu.vector_load %arg7[%get3A_71] {strides = array<i32>} : memref<528xi32, #tpu.memory_space<vmem>>, vector<16xi32>,
    %mul3A_73 = arith.constant 100 : i32
    %mul3A_74 = vector.broadcast %mul3A_73 : i32 to vector<16xi32>
    %mul3A_75 = arith.muli %get3A_72, %mul3A_74 : vector<16xi32>
    %get3A_76 = arith.constant 112 : index
    %get3A_77 = tpu.vector_load %arg8[%get3A_76] {strides = array<i32>} : memref<512xi32, #tpu.memory_space<vmem>>, vector<16xi32>,
    %add3A_78 = arith.addi %mul3A_75, %get3A_77 : vector<16xi32>
    %swap3A_79 = arith.constant 112 : index
    %swap3A_80 = tpu.vector_load %arg7[%swap3A_79] {strides = array<i32>} : memref<528xi32, #tpu.memory_space<vmem>>, vector<16xi32>,
    tpu.vector_store %arg7[%swap3A_79], %add3A_78 {strides = array<i32>} : memref<528xi32, #tpu.memory_space<vmem>>, vector<16xi32>,
    %get3A_81 = arith.constant 128 : index
    %get3A_82 = tpu.vector_load %arg7[%get3A_81] {strides = array<i32>} : memref<528xi32, #tpu.memory_space<vmem>>, vector<16xi32>,
    %mul3A_83 = arith.constant 100 : i32
    %mul3A_84 = vector.broadcast %mul3A_83 : i32 to vector<16xi32>
    %mul3A_85 = arith.muli %get3A_82, %mul3A_84 : vector<16xi32>
    %get3A_86 = arith.constant 128 : index
    %get3A_87 = tpu.vector_load %arg8[%get3A_86] {strides = array<i32>} : memref<512xi32, #tpu.memory_space<vmem>>, vector<16xi32>,
    %add3A_88 = arith.addi %mul3A_85, %get3A_87 : vector<16xi32>
    %swap3A_89 = arith.constant 128 : index
    %swap3A_90 = tpu.vector_load %arg7[%swap3A_89] {strides = array<i32>} : memref<528xi32, #tpu.memory_space<vmem>>, vector<16xi32>,
    tpu.vector_store %arg7[%swap3A_89], %add3A_88 {strides = array<i32>} : memref<528xi32, #tpu.memory_space<vmem>>, vector<16xi32>,
    %get3A_91 = arith.constant 144 : index
    %get3A_92 = tpu.vector_load %arg7[%get3A_91] {strides = array<i32>} : memref<528xi32, #tpu.memory_space<vmem>>, vector<16xi32>,
    %mul3A_93 = arith.constant 100 : i32
    %mul3A_94 = vector.broadcast %mul3A_93 : i32 to vector<16xi32>
    %mul3A_95 = arith.muli %get3A_92, %mul3A_94 : vector<16xi32>
    %get3A_96 = arith.constant 144 : index
    %get3A_97 = tpu.vector_load %arg8[%get3A_96] {strides = array<i32>} : memref<512xi32, #tpu.memory_space<vmem>>, vector<16xi32>,
    %add3A_98 = arith.addi %mul3A_95, %get3A_97 : vector<16xi32>
    %swap3A_99 = arith.constant 144 : index
    %swap3A_100 = tpu.vector_load %arg7[%swap3A_99] {strides = array<i32>} : memref<528xi32, #tpu.memory_space<vmem>>, vector<16xi32>,
    tpu.vector_store %arg7[%swap3A_99], %add3A_98 {strides = array<i32>} : memref<528xi32, #tpu.memory_space<vmem>>, vector<16xi32>,
    %get3A_101 = arith.constant 160 : index
    %get3A_102 = tpu.vector_load %arg7[%get3A_101] {strides = array<i32>} : memref<528xi32, #tpu.memory_space<vmem>>, vector<16xi32>,
    %mul3A_103 = arith.constant 100 : i32
    %mul3A_104 = vector.broadcast %mul3A_103 : i32 to vector<16xi32>
    %mul3A_105 = arith.muli %get3A_102, %mul3A_104 : vector<16xi32>
    %get3A_106 = arith.constant 160 : index
    %get3A_107 = tpu.vector_load %arg8[%get3A_106] {strides = array<i32>} : memref<512xi32, #tpu.memory_space<vmem>>, vector<16xi32>,
    %add3A_108 = arith.addi %mul3A_105, %get3A_107 : vector<16xi32>
    %swap3A_109 = arith.constant 160 : index
    %swap3A_110 = tpu.vector_load %arg7[%swap3A_109] {strides = array<i32>} : memref<528xi32, #tpu.memory_space<vmem>>, vector<16xi32>,
    tpu.vector_store %arg7[%swap3A_109], %add3A_108 {strides = array<i32>} : memref<528xi32, #tpu.memory_space<vmem>>, vector<16xi32>,
    %get3A_111 = arith.constant 176 : index
    %get3A_112 = tpu.vector_load %arg7[%get3A_111] {strides = array<i32>} : memref<528xi32, #tpu.memory_space<vmem>>, vector<16xi32>,
    %mul3A_113 = arith.constant 100 : i32
    %mul3A_114 = vector.broadcast %mul3A_113 : i32 to vector<16xi32>
    %mul3A_115 = arith.muli %get3A_112, %mul3A_114 : vector<16xi32>
    %get3A_116 = arith.constant 176 : index
    %get3A_117 = tpu.vector_load %arg8[%get3A_116] {strides = array<i32>} : memref<512xi32, #tpu.memory_space<vmem>>, vector<16xi32>,
    %add3A_118 = arith.addi %mul3A_115, %get3A_117 : vector<16xi32>
    %swap3A_119 = arith.constant 176 : index
    %swap3A_120 = tpu.vector_load %arg7[%swap3A_119] {strides = array<i32>} : memref<528xi32, #tpu.memory_space<vmem>>, vector<16xi32>,
    tpu.vector_store %arg7[%swap3A_119], %add3A_118 {strides = array<i32>} : memref<528xi32, #tpu.memory_space<vmem>>, vector<16xi32>,
    %get3A_121 = arith.constant 192 : index
    %get3A_122 = tpu.vector_load %arg7[%get3A_121] {strides = array<i32>} : memref<528xi32, #tpu.memory_space<vmem>>, vector<16xi32>,
    %mul3A_123 = arith.constant 100 : i32
    %mul3A_124 = vector.broadcast %mul3A_123 : i32 to vector<16xi32>
    %mul3A_125 = arith.muli %get3A_122, %mul3A_124 : vector<16xi32>
    %get3A_126 = arith.constant 192 : index
    %get3A_127 = tpu.vector_load %arg8[%get3A_126] {strides = array<i32>} : memref<512xi32, #tpu.memory_space<vmem>>, vector<16xi32>,
    %add3A_128 = arith.addi %mul3A_125, %get3A_127 : vector<16xi32>
    %swap3A_129 = arith.constant 192 : index
    %swap3A_130 = tpu.vector_load %arg7[%swap3A_129] {strides = array<i32>} : memref<528xi32, #tpu.memory_space<vmem>>, vector<16xi32>,
    tpu.vector_store %arg7[%swap3A_129], %add3A_128 {strides = array<i32>} : memref<528xi32, #tpu.memory_space<vmem>>, vector<16xi32>,
    %get3A_131 = arith.constant 208 : index
    %get3A_132 = tpu.vector_load %arg7[%get3A_131] {strides = array<i32>} : memref<528xi32, #tpu.memory_space<vmem>>, vector<16xi32>,
    %mul3A_133 = arith.constant 100 : i32
    %mul3A_134 = vector.broadcast %mul3A_133 : i32 to vector<16xi32>
    %mul3A_135 = arith.muli %get3A_132, %mul3A_134 : vector<16xi32>
    %get3A_136 = arith.constant 208 : index
    %get3A_137 = tpu.vector_load %arg8[%get3A_136] {strides = array<i32>} : memref<512xi32, #tpu.memory_space<vmem>>, vector<16xi32>,
    %add3A_138 = arith.addi %mul3A_135, %get3A_137 : vector<16xi32>
    %swap3A_139 = arith.constant 208 : index
    %swap3A_140 = tpu.vector_load %arg7[%swap3A_139] {strides = array<i32>} : memref<528xi32, #tpu.memory_space<vmem>>, vector<16xi32>,
    tpu.vector_store %arg7[%swap3A_139], %add3A_138 {strides = array<i32>} : memref<528xi32, #tpu.memory_space<vmem>>, vector<16xi32>,
    %get3A_141 = arith.constant 224 : index
    %get3A_142 = tpu.vector_load %arg7[%get3A_141] {strides = array<i32>} : memref<528xi32, #tpu.memory_space<vmem>>, vector<16xi32>,
    %mul3A_143 = arith.constant 100 : i32
    %mul3A_144 = vector.broadcast %mul3A_143 : i32 to vector<16xi32>
    %mul3A_145 = arith.muli %get3A_142, %mul3A_144 : vector<16xi32>
    %get3A_146 = arith.constant 224 : index
    %get3A_147 = tpu.vector_load %arg8[%get3A_146] {strides = array<i32>} : memref<512xi32, #tpu.memory_space<vmem>>, vector<16xi32>,
    %add3A_148 = arith.addi %mul3A_145, %get3A_147 : vector<16xi32>
    %swap3A_149 = arith.constant 224 : index
    %swap3A_150 = tpu.vector_load %arg7[%swap3A_149] {strides = array<i32>} : memref<528xi32, #tpu.memory_space<vmem>>, vector<16xi32>,
    tpu.vector_store %arg7[%swap3A_149], %add3A_148 {strides = array<i32>} : memref<528xi32, #tpu.memory_space<vmem>>, vector<16xi32>,
    %get3A_151 = arith.constant 240 : index
    %get3A_152 = tpu.vector_load %arg7[%get3A_151] {strides = array<i32>} : memref<528xi32, #tpu.memory_space<vmem>>, vector<16xi32>,
    %mul3A_153 = arith.constant 100 : i32
    %mul3A_154 = vector.broadcast %mul3A_153 : i32 to vector<16xi32>
    %mul3A_155 = arith.muli %get3A_152, %mul3A_154 : vector<16xi32>
    %get3A_156 = arith.constant 240 : index
    %get3A_157 = tpu.vector_load %arg8[%get3A_156] {strides = array<i32>} : memref<512xi32, #tpu.memory_space<vmem>>, vector<16xi32>,
    %add3A_158 = arith.addi %mul3A_155, %get3A_157 : vector<16xi32>
    %swap3A_159 = arith.constant 240 : index
    %swap3A_160 = tpu.vector_load %arg7[%swap3A_159] {strides = array<i32>} : memref<528xi32, #tpu.memory_space<vmem>>, vector<16xi32>,
    tpu.vector_store %arg7[%swap3A_159], %add3A_158 {strides = array<i32>} : memref<528xi32, #tpu.memory_space<vmem>>, vector<16xi32>,
    %get3A_161 = arith.constant 256 : index
    %get3A_162 = tpu.vector_load %arg7[%get3A_161] {strides = array<i32>} : memref<528xi32, #tpu.memory_space<vmem>>, vector<16xi32>,
    %mul3A_163 = arith.constant 100 : i32
    %mul3A_164 = vector.broadcast %mul3A_163 : i32 to vector<16xi32>
    %mul3A_165 = arith.muli %get3A_162, %mul3A_164 : vector<16xi32>
    %get3A_166 = arith.constant 256 : index
    %get3A_167 = tpu.vector_load %arg8[%get3A_166] {strides = array<i32>} : memref<512xi32, #tpu.memory_space<vmem>>, vector<16xi32>,
    %add3A_168 = arith.addi %mul3A_165, %get3A_167 : vector<16xi32>
    %swap3A_169 = arith.constant 256 : index
    %swap3A_170 = tpu.vector_load %arg7[%swap3A_169] {strides = array<i32>} : memref<528xi32, #tpu.memory_space<vmem>>, vector<16xi32>,
    tpu.vector_store %arg7[%swap3A_169], %add3A_168 {strides = array<i32>} : memref<528xi32, #tpu.memory_space<vmem>>, vector<16xi32>,
    %get3A_171 = arith.constant 272 : index
    %get3A_172 = tpu.vector_load %arg7[%get3A_171] {strides = array<i32>} : memref<528xi32, #tpu.memory_space<vmem>>, vector<16xi32>,
    %mul3A_173 = arith.constant 100 : i32
    %mul3A_174 = vector.broadcast %mul3A_173 : i32 to vector<16xi32>
    %mul3A_175 = arith.muli %get3A_172, %mul3A_174 : vector<16xi32>
    %get3A_176 = arith.constant 272 : index
    %get3A_177 = tpu.vector_load %arg8[%get3A_176] {strides = array<i32>} : memref<512xi32, #tpu.memory_space<vmem>>, vector<16xi32>,
    %add3A_178 = arith.addi %mul3A_175, %get3A_177 : vector<16xi32>
    %swap3A_179 = arith.constant 272 : index
    %swap3A_180 = tpu.vector_load %arg7[%swap3A_179] {strides = array<i32>} : memref<528xi32, #tpu.memory_space<vmem>>, vector<16xi32>,
    tpu.vector_store %arg7[%swap3A_179], %add3A_178 {strides = array<i32>} : memref<528xi32, #tpu.memory_space<vmem>>, vector<16xi32>,
    %get3A_181 = arith.constant 288 : index
    %get3A_182 = tpu.vector_load %arg7[%get3A_181] {strides = array<i32>} : memref<528xi32, #tpu.memory_space<vmem>>, vector<16xi32>,
    %mul3A_183 = arith.constant 100 : i32
    %mul3A_184 = vector.broadcast %mul3A_183 : i32 to vector<16xi32>
    %mul3A_185 = arith.muli %get3A_182, %mul3A_184 : vector<16xi32>
    %get3A_186 = arith.constant 288 : index
    %get3A_187 = tpu.vector_load %arg8[%get3A_186] {strides = array<i32>} : memref<512xi32, #tpu.memory_space<vmem>>, vector<16xi32>,
    %add3A_188 = arith.addi %mul3A_185, %get3A_187 : vector<16xi32>
    %swap3A_189 = arith.constant 288 : index
    %swap3A_190 = tpu.vector_load %arg7[%swap3A_189] {strides = array<i32>} : memref<528xi32, #tpu.memory_space<vmem>>, vector<16xi32>,
    tpu.vector_store %arg7[%swap3A_189], %add3A_188 {strides = array<i32>} : memref<528xi32, #tpu.memory_space<vmem>>, vector<16xi32>,
    %get3A_191 = arith.constant 304 : index
    %get3A_192 = tpu.vector_load %arg7[%get3A_191] {strides = array<i32>} : memref<528xi32, #tpu.memory_space<vmem>>, vector<16xi32>,
    %mul3A_193 = arith.constant 100 : i32
    %mul3A_194 = vector.broadcast %mul3A_193 : i32 to vector<16xi32>
    %mul3A_195 = arith.muli %get3A_192, %mul3A_194 : vector<16xi32>
    %get3A_196 = arith.constant 304 : index
    %get3A_197 = tpu.vector_load %arg8[%get3A_196] {strides = array<i32>} : memref<512xi32, #tpu.memory_space<vmem>>, vector<16xi32>,
    %add3A_198 = arith.addi %mul3A_195, %get3A_197 : vector<16xi32>
    %swap3A_199 = arith.constant 304 : index
    %swap3A_200 = tpu.vector_load %arg7[%swap3A_199] {strides = array<i32>} : memref<528xi32, #tpu.memory_space<vmem>>, vector<16xi32>,
    tpu.vector_store %arg7[%swap3A_199], %add3A_198 {strides = array<i32>} : memref<528xi32, #tpu.memory_space<vmem>>, vector<16xi32>,
    %get3A_201 = arith.constant 320 : index
    %get3A_202 = tpu.vector_load %arg7[%get3A_201] {strides = array<i32>} : memref<528xi32, #tpu.memory_space<vmem>>, vector<16xi32>,
    %mul3A_203 = arith.constant 100 : i32
    %mul3A_204 = vector.broadcast %mul3A_203 : i32 to vector<16xi32>
    %mul3A_205 = arith.muli %get3A_202, %mul3A_204 : vector<16xi32>
    %get3A_206 = arith.constant 320 : index
    %get3A_207 = tpu.vector_load %arg8[%get3A_206] {strides = array<i32>} : memref<512xi32, #tpu.memory_space<vmem>>, vector<16xi32>,
    %add3A_208 = arith.addi %mul3A_205, %get3A_207 : vector<16xi32>
    %swap3A_209 = arith.constant 320 : index
    %swap3A_210 = tpu.vector_load %arg7[%swap3A_209] {strides = array<i32>} : memref<528xi32, #tpu.memory_space<vmem>>, vector<16xi32>,
    tpu.vector_store %arg7[%swap3A_209], %add3A_208 {strides = array<i32>} : memref<528xi32, #tpu.memory_space<vmem>>, vector<16xi32>,
    %get3A_211 = arith.constant 336 : index
    %get3A_212 = tpu.vector_load %arg7[%get3A_211] {strides = array<i32>} : memref<528xi32, #tpu.memory_space<vmem>>, vector<16xi32>,
    %mul3A_213 = arith.constant 100 : i32
    %mul3A_214 = vector.broadcast %mul3A_213 : i32 to vector<16xi32>
    %mul3A_215 = arith.muli %get3A_212, %mul3A_214 : vector<16xi32>
    %get3A_216 = arith.constant 336 : index
    %get3A_217 = tpu.vector_load %arg8[%get3A_216] {strides = array<i32>} : memref<512xi32, #tpu.memory_space<vmem>>, vector<16xi32>,
    %add3A_218 = arith.addi %mul3A_215, %get3A_217 : vector<16xi32>
    %swap3A_219 = arith.constant 336 : index
    %swap3A_220 = tpu.vector_load %arg7[%swap3A_219] {strides = array<i32>} : memref<528xi32, #tpu.memory_space<vmem>>, vector<16xi32>,
    tpu.vector_store %arg7[%swap3A_219], %add3A_218 {strides = array<i32>} : memref<528xi32, #tpu.memory_space<vmem>>, vector<16xi32>,
    %get3A_221 = arith.constant 352 : index
    %get3A_222 = tpu.vector_load %arg7[%get3A_221] {strides = array<i32>} : memref<528xi32, #tpu.memory_space<vmem>>, vector<16xi32>,
    %mul3A_223 = arith.constant 100 : i32
    %mul3A_224 = vector.broadcast %mul3A_223 : i32 to vector<16xi32>
    %mul3A_225 = arith.muli %get3A_222, %mul3A_224 : vector<16xi32>
    %get3A_226 = arith.constant 352 : index
    %get3A_227 = tpu.vector_load %arg8[%get3A_226] {strides = array<i32>} : memref<512xi32, #tpu.memory_space<vmem>>, vector<16xi32>,
    %add3A_228 = arith.addi %mul3A_225, %get3A_227 : vector<16xi32>
    %swap3A_229 = arith.constant 352 : index
    %swap3A_230 = tpu.vector_load %arg7[%swap3A_229] {strides = array<i32>} : memref<528xi32, #tpu.memory_space<vmem>>, vector<16xi32>,
    tpu.vector_store %arg7[%swap3A_229], %add3A_228 {strides = array<i32>} : memref<528xi32, #tpu.memory_space<vmem>>, vector<16xi32>,
    %get3A_231 = arith.constant 368 : index
    %get3A_232 = tpu.vector_load %arg7[%get3A_231] {strides = array<i32>} : memref<528xi32, #tpu.memory_space<vmem>>, vector<16xi32>,
    %mul3A_233 = arith.constant 100 : i32
    %mul3A_234 = vector.broadcast %mul3A_233 : i32 to vector<16xi32>
    %mul3A_235 = arith.muli %get3A_232, %mul3A_234 : vector<16xi32>
    %get3A_236 = arith.constant 368 : index
    %get3A_237 = tpu.vector_load %arg8[%get3A_236] {strides = array<i32>} : memref<512xi32, #tpu.memory_space<vmem>>, vector<16xi32>,
    %add3A_238 = arith.addi %mul3A_235, %get3A_237 : vector<16xi32>
    %swap3A_239 = arith.constant 368 : index
    %swap3A_240 = tpu.vector_load %arg7[%swap3A_239] {strides = array<i32>} : memref<528xi32, #tpu.memory_space<vmem>>, vector<16xi32>,
    tpu.vector_store %arg7[%swap3A_239], %add3A_238 {strides = array<i32>} : memref<528xi32, #tpu.memory_space<vmem>>, vector<16xi32>,
    %get3A_241 = arith.constant 384 : index
    %get3A_242 = tpu.vector_load %arg7[%get3A_241] {strides = array<i32>} : memref<528xi32, #tpu.memory_space<vmem>>, vector<16xi32>,
    %mul3A_243 = arith.constant 100 : i32
    %mul3A_244 = vector.broadcast %mul3A_243 : i32 to vector<16xi32>
    %mul3A_245 = arith.muli %get3A_242, %mul3A_244 : vector<16xi32>
    %get3A_246 = arith.constant 384 : index
    %get3A_247 = tpu.vector_load %arg8[%get3A_246] {strides = array<i32>} : memref<512xi32, #tpu.memory_space<vmem>>, vector<16xi32>,
    %add3A_248 = arith.addi %mul3A_245, %get3A_247 : vector<16xi32>
    %swap3A_249 = arith.constant 384 : index
    %swap3A_250 = tpu.vector_load %arg7[%swap3A_249] {strides = array<i32>} : memref<528xi32, #tpu.memory_space<vmem>>, vector<16xi32>,
    tpu.vector_store %arg7[%swap3A_249], %add3A_248 {strides = array<i32>} : memref<528xi32, #tpu.memory_space<vmem>>, vector<16xi32>,
    %get3A_251 = arith.constant 400 : index
    %get3A_252 = tpu.vector_load %arg7[%get3A_251] {strides = array<i32>} : memref<528xi32, #tpu.memory_space<vmem>>, vector<16xi32>,
    %mul3A_253 = arith.constant 100 : i32
    %mul3A_254 = vector.broadcast %mul3A_253 : i32 to vector<16xi32>
    %mul3A_255 = arith.muli %get3A_252, %mul3A_254 : vector<16xi32>
    %get3A_256 = arith.constant 400 : index
    %get3A_257 = tpu.vector_load %arg8[%get3A_256] {strides = array<i32>} : memref<512xi32, #tpu.memory_space<vmem>>, vector<16xi32>,
    %add3A_258 = arith.addi %mul3A_255, %get3A_257 : vector<16xi32>
    %swap3A_259 = arith.constant 400 : index
    %swap3A_260 = tpu.vector_load %arg7[%swap3A_259] {strides = array<i32>} : memref<528xi32, #tpu.memory_space<vmem>>, vector<16xi32>,
    tpu.vector_store %arg7[%swap3A_259], %add3A_258 {strides = array<i32>} : memref<528xi32, #tpu.memory_space<vmem>>, vector<16xi32>,
    %get3A_261 = arith.constant 416 : index
    %get3A_262 = tpu.vector_load %arg7[%get3A_261] {strides = array<i32>} : memref<528xi32, #tpu.memory_space<vmem>>, vector<16xi32>,
    %mul3A_263 = arith.constant 100 : i32
    %mul3A_264 = vector.broadcast %mul3A_263 : i32 to vector<16xi32>
    %mul3A_265 = arith.muli %get3A_262, %mul3A_264 : vector<16xi32>
    %get3A_266 = arith.constant 416 : index
    %get3A_267 = tpu.vector_load %arg8[%get3A_266] {strides = array<i32>} : memref<512xi32, #tpu.memory_space<vmem>>, vector<16xi32>,
    %add3A_268 = arith.addi %mul3A_265, %get3A_267 : vector<16xi32>
    %swap3A_269 = arith.constant 416 : index
    %swap3A_270 = tpu.vector_load %arg7[%swap3A_269] {strides = array<i32>} : memref<528xi32, #tpu.memory_space<vmem>>, vector<16xi32>,
    tpu.vector_store %arg7[%swap3A_269], %add3A_268 {strides = array<i32>} : memref<528xi32, #tpu.memory_space<vmem>>, vector<16xi32>,
    %get3A_271 = arith.constant 432 : index
    %get3A_272 = tpu.vector_load %arg7[%get3A_271] {strides = array<i32>} : memref<528xi32, #tpu.memory_space<vmem>>, vector<16xi32>,
    %mul3A_273 = arith.constant 100 : i32
    %mul3A_274 = vector.broadcast %mul3A_273 : i32 to vector<16xi32>
    %mul3A_275 = arith.muli %get3A_272, %mul3A_274 : vector<16xi32>
    %get3A_276 = arith.constant 432 : index
    %get3A_277 = tpu.vector_load %arg8[%get3A_276] {strides = array<i32>} : memref<512xi32, #tpu.memory_space<vmem>>, vector<16xi32>,
    %add3A_278 = arith.addi %mul3A_275, %get3A_277 : vector<16xi32>
    %swap3A_279 = arith.constant 432 : index
    %swap3A_280 = tpu.vector_load %arg7[%swap3A_279] {strides = array<i32>} : memref<528xi32, #tpu.memory_space<vmem>>, vector<16xi32>,
    tpu.vector_store %arg7[%swap3A_279], %add3A_278 {strides = array<i32>} : memref<528xi32, #tpu.memory_space<vmem>>, vector<16xi32>,
    %get3A_281 = arith.constant 448 : index
    %get3A_282 = tpu.vector_load %arg7[%get3A_281] {strides = array<i32>} : memref<528xi32, #tpu.memory_space<vmem>>, vector<16xi32>,
    %mul3A_283 = arith.constant 100 : i32
    %mul3A_284 = vector.broadcast %mul3A_283 : i32 to vector<16xi32>
    %mul3A_285 = arith.muli %get3A_282, %mul3A_284 : vector<16xi32>
    %get3A_286 = arith.constant 448 : index
    %get3A_287 = tpu.vector_load %arg8[%get3A_286] {strides = array<i32>} : memref<512xi32, #tpu.memory_space<vmem>>, vector<16xi32>,
    %add3A_288 = arith.addi %mul3A_285, %get3A_287 : vector<16xi32>
    %swap3A_289 = arith.constant 448 : index
    %swap3A_290 = tpu.vector_load %arg7[%swap3A_289] {strides = array<i32>} : memref<528xi32, #tpu.memory_space<vmem>>, vector<16xi32>,
    tpu.vector_store %arg7[%swap3A_289], %add3A_288 {strides = array<i32>} : memref<528xi32, #tpu.memory_space<vmem>>, vector<16xi32>,
    %get3A_291 = arith.constant 464 : index
    %get3A_292 = tpu.vector_load %arg7[%get3A_291] {strides = array<i32>} : memref<528xi32, #tpu.memory_space<vmem>>, vector<16xi32>,
    %mul3A_293 = arith.constant 100 : i32
    %mul3A_294 = vector.broadcast %mul3A_293 : i32 to vector<16xi32>
    %mul3A_295 = arith.muli %get3A_292, %mul3A_294 : vector<16xi32>
    %get3A_296 = arith.constant 464 : index
    %get3A_297 = tpu.vector_load %arg8[%get3A_296] {strides = array<i32>} : memref<512xi32, #tpu.memory_space<vmem>>, vector<16xi32>,
    %add3A_298 = arith.addi %mul3A_295, %get3A_297 : vector<16xi32>
    %swap3A_299 = arith.constant 464 : index
    %swap3A_300 = tpu.vector_load %arg7[%swap3A_299] {strides = array<i32>} : memref<528xi32, #tpu.memory_space<vmem>>, vector<16xi32>,
    tpu.vector_store %arg7[%swap3A_299], %add3A_298 {strides = array<i32>} : memref<528xi32, #tpu.memory_space<vmem>>, vector<16xi32>,
    %get3A_301 = arith.constant 480 : index
    %get3A_302 = tpu.vector_load %arg7[%get3A_301] {strides = array<i32>} : memref<528xi32, #tpu.memory_space<vmem>>, vector<16xi32>,
    %mul3A_303 = arith.constant 100 : i32
    %mul3A_304 = vector.broadcast %mul3A_303 : i32 to vector<16xi32>
    %mul3A_305 = arith.muli %get3A_302, %mul3A_304 : vector<16xi32>
    %get3A_306 = arith.constant 480 : index
    %get3A_307 = tpu.vector_load %arg8[%get3A_306] {strides = array<i32>} : memref<512xi32, #tpu.memory_space<vmem>>, vector<16xi32>,
    %add3A_308 = arith.addi %mul3A_305, %get3A_307 : vector<16xi32>
    %swap3A_309 = arith.constant 480 : index
    %swap3A_310 = tpu.vector_load %arg7[%swap3A_309] {strides = array<i32>} : memref<528xi32, #tpu.memory_space<vmem>>, vector<16xi32>,
    tpu.vector_store %arg7[%swap3A_309], %add3A_308 {strides = array<i32>} : memref<528xi32, #tpu.memory_space<vmem>>, vector<16xi32>,
    %get3A_311 = arith.constant 496 : index
    %get3A_312 = tpu.vector_load %arg7[%get3A_311] {strides = array<i32>} : memref<528xi32, #tpu.memory_space<vmem>>, vector<16xi32>,
    %mul3A_313 = arith.constant 100 : i32
    %mul3A_314 = vector.broadcast %mul3A_313 : i32 to vector<16xi32>
    %mul3A_315 = arith.muli %get3A_312, %mul3A_314 : vector<16xi32>
    %get3A_316 = arith.constant 496 : index
    %get3A_317 = tpu.vector_load %arg8[%get3A_316] {strides = array<i32>} : memref<512xi32, #tpu.memory_space<vmem>>, vector<16xi32>,
    %add3A_318 = arith.addi %mul3A_315, %get3A_317 : vector<16xi32>
    %swap3A_319 = arith.constant 496 : index
    %swap3A_320 = tpu.vector_load %arg7[%swap3A_319] {strides = array<i32>} : memref<528xi32, #tpu.memory_space<vmem>>, vector<16xi32>,
    tpu.vector_store %arg7[%swap3A_319], %add3A_318 {strides = array<i32>} : memref<528xi32, #tpu.memory_space<vmem>>, vector<16xi32>,
    %iota3A = tpu.iota {dimensions = array<i32: 0>} : vector<16xi32>
    %add3A_321 = arith.constant 16 : i32
    %add3A_322 = vector.broadcast %add3A_321 : i32 to vector<16xi32>
    %add3A_323 = arith.addi %iota3A, %add3A_322 : vector<16xi32>
    %get3A_324 = arith.constant 0 : index
    %get3A_325 = tpu.vector_load %arg7[%get3A_324] {strides = array<i32>} : memref<528xi32, #tpu.memory_space<vmem>>, vector<16xi32>,
    %slice3A = vector.extract_strided_slice %get3A_325 {offsets = [0], sizes = [1], strides = [1]} : vector<16xi32> to vector<1xi32>
    %squeeze3A = vector.extract %slice3A[0] : i32 from vector<1xi32>
    %dma_start3A = arith.constant 0 : i32
    %dma_start3A_326 = arith.constant 0 : i32
    %dma_start3A_327 = arith.constant 0 : i32
    %dma_start3A_328 = arith.constant 0 : i32
    %dma_start3A_329 = tpu.memref_slice %arg10[%dma_start3A, %dma_start3A_327, %dma_start3A_328] : memref<8x32x100xf32, #tpu.memory_space<vmem>> -> memref<1x32x100xf32, #tpu.memory_space<vmem>>
    %dma_start3A_330 = tpu.memref_squeeze %dma_start3A_329 : memref<1x32x100xf32, #tpu.memory_space<vmem>> -> memref<32x100xf32, #tpu.memory_space<vmem>>
    %dma_start3A_331 = arith.constant 0 : i32
    %dma_start3A_332 = arith.constant 0 : i32
    %dma_start3A_333 = tpu.memref_slice %arg5[%squeeze3A, %dma_start3A_331, %dma_start3A_332] : memref<10000x32x100xf32, #tpu.memory_space<hbm>> -> memref<1x32x100xf32, #tpu.memory_space<hbm>>
    %dma_start3A_334 = tpu.memref_squeeze %dma_start3A_333 : memref<1x32x100xf32, #tpu.memory_space<hbm>> -> memref<32x100xf32, #tpu.memory_space<hbm>>
    %dma_start3A_335 = tpu.memref_slice %arg12[%dma_start3A_326] : memref<8x!tpu.dma_semaphore, #tpu.memory_space<semaphore_mem>> -> memref<1x!tpu.dma_semaphore, #tpu.memory_space<semaphore_mem>>
    %dma_start3A_336 = tpu.memref_squeeze %dma_start3A_335 : memref<1x!tpu.dma_semaphore, #tpu.memory_space<semaphore_mem>> -> memref<!tpu.dma_semaphore, #tpu.memory_space<semaphore_mem>>
    %dma_start3A_337 = arith.constant 0 : i32
    %dma_start3A_338 = arith.constant 0 : i32
    %dma_start3A_339 = tpu.memref_slice %arg10[%dma_start3A, %dma_start3A_337, %dma_start3A_338] : memref<8x32x100xf32, #tpu.memory_space<vmem>> -> memref<1x32x100xf32, #tpu.memory_space<vmem>>
    %dma_start3A_340 = tpu.memref_squeeze %dma_start3A_339 : memref<1x32x100xf32, #tpu.memory_space<vmem>> -> memref<32x100xf32, #tpu.memory_space<vmem>>
    %dma_start3A_341 = arith.constant 0 : i32
    %dma_start3A_342 = arith.constant 0 : i32
    %dma_start3A_343 = tpu.memref_slice %arg5[%squeeze3A, %dma_start3A_341, %dma_start3A_342] : memref<10000x32x100xf32, #tpu.memory_space<hbm>> -> memref<1x32x100xf32, #tpu.memory_space<hbm>>
    %dma_start3A_344 = tpu.memref_squeeze %dma_start3A_343 : memref<1x32x100xf32, #tpu.memory_space<hbm>> -> memref<32x100xf32, #tpu.memory_space<hbm>>
    tpu.enqueue_dma source(%dma_start3A_344 : memref<32x100xf32, #tpu.memory_space<hbm>>) target(%dma_start3A_340 : memref<32x100xf32, #tpu.memory_space<vmem>>) target_semaphore(%dma_start3A_336 : memref<!tpu.dma_semaphore, #tpu.memory_space<semaphore_mem>>)
    %get3A_345 = arith.constant 1 : index
    %get3A_346 = tpu.vector_load %arg7[%get3A_345] {strides = array<i32>} : memref<528xi32, #tpu.memory_space<vmem>>, vector<16xi32>,
    %slice3A_347 = vector.extract_strided_slice %get3A_346 {offsets = [0], sizes = [1], strides = [1]} : vector<16xi32> to vector<1xi32>
    %squeeze3A_348 = vector.extract %slice3A_347[0] : i32 from vector<1xi32>
    %dma_start3A_349 = arith.constant 1 : i32
    %dma_start3A_350 = arith.constant 1 : i32
    %dma_start3A_351 = arith.constant 0 : i32
    %dma_start3A_352 = arith.constant 0 : i32
    %dma_start3A_353 = tpu.memref_slice %arg10[%dma_start3A_349, %dma_start3A_351, %dma_start3A_352] : memref<8x32x100xf32, #tpu.memory_space<vmem>> -> memref<1x32x100xf32, #tpu.memory_space<vmem>>
    %dma_start3A_354 = tpu.memref_squeeze %dma_start3A_353 : memref<1x32x100xf32, #tpu.memory_space<vmem>> -> memref<32x100xf32, #tpu.memory_space<vmem>>
    %dma_start3A_355 = arith.constant 0 : i32
    %dma_start3A_356 = arith.constant 0 : i32
    %dma_start3A_357 = tpu.memref_slice %arg5[%squeeze3A_348, %dma_start3A_355, %dma_start3A_356] : memref<10000x32x100xf32, #tpu.memory_space<hbm>> -> memref<1x32x100xf32, #tpu.memory_space<hbm>>
    %dma_start3A_358 = tpu.memref_squeeze %dma_start3A_357 : memref<1x32x100xf32, #tpu.memory_space<hbm>> -> memref<32x100xf32, #tpu.memory_space<hbm>>
    %dma_start3A_359 = tpu.memref_slice %arg12[%dma_start3A_350] : memref<8x!tpu.dma_semaphore, #tpu.memory_space<semaphore_mem>> -> memref<1x!tpu.dma_semaphore, #tpu.memory_space<semaphore_mem>>
    %dma_start3A_360 = tpu.memref_squeeze %dma_start3A_359 : memref<1x!tpu.dma_semaphore, #tpu.memory_space<semaphore_mem>> -> memref<!tpu.dma_semaphore, #tpu.memory_space<semaphore_mem>>
    %dma_start3A_361 = arith.constant 0 : i32
    %dma_start3A_362 = arith.constant 0 : i32
    %dma_start3A_363 = tpu.memref_slice %arg10[%dma_start3A_349, %dma_start3A_361, %dma_start3A_362] : memref<8x32x100xf32, #tpu.memory_space<vmem>> -> memref<1x32x100xf32, #tpu.memory_space<vmem>>
    %dma_start3A_364 = tpu.memref_squeeze %dma_start3A_363 : memref<1x32x100xf32, #tpu.memory_space<vmem>> -> memref<32x100xf32, #tpu.memory_space<vmem>>
    %dma_start3A_365 = arith.constant 0 : i32
    %dma_start3A_366 = arith.constant 0 : i32
    %dma_start3A_367 = tpu.memref_slice %arg5[%squeeze3A_348, %dma_start3A_365, %dma_start3A_366] : memref<10000x32x100xf32, #tpu.memory_space<hbm>> -> memref<1x32x100xf32, #tpu.memory_space<hbm>>
    %dma_start3A_368 = tpu.memref_squeeze %dma_start3A_367 : memref<1x32x100xf32, #tpu.memory_space<hbm>> -> memref<32x100xf32, #tpu.memory_space<hbm>>
    tpu.enqueue_dma source(%dma_start3A_368 : memref<32x100xf32, #tpu.memory_space<hbm>>) target(%dma_start3A_364 : memref<32x100xf32, #tpu.memory_space<vmem>>) target_semaphore(%dma_start3A_360 : memref<!tpu.dma_semaphore, #tpu.memory_space<semaphore_mem>>)
    %get3A_369 = arith.constant 2 : index
    %get3A_370 = tpu.vector_load %arg7[%get3A_369] {strides = array<i32>} : memref<528xi32, #tpu.memory_space<vmem>>, vector<16xi32>,
    %slice3A_371 = vector.extract_strided_slice %get3A_370 {offsets = [0], sizes = [1], strides = [1]} : vector<16xi32> to vector<1xi32>
    %squeeze3A_372 = vector.extract %slice3A_371[0] : i32 from vector<1xi32>
    %dma_start3A_373 = arith.constant 2 : i32
    %dma_start3A_374 = arith.constant 2 : i32
    %dma_start3A_375 = arith.constant 0 : i32
    %dma_start3A_376 = arith.constant 0 : i32
    %dma_start3A_377 = tpu.memref_slice %arg10[%dma_start3A_373, %dma_start3A_375, %dma_start3A_376] : memref<8x32x100xf32, #tpu.memory_space<vmem>> -> memref<1x32x100xf32, #tpu.memory_space<vmem>>
    %dma_start3A_378 = tpu.memref_squeeze %dma_start3A_377 : memref<1x32x100xf32, #tpu.memory_space<vmem>> -> memref<32x100xf32, #tpu.memory_space<vmem>>
    %dma_start3A_379 = arith.constant 0 : i32
    %dma_start3A_380 = arith.constant 0 : i32
    %dma_start3A_381 = tpu.memref_slice %arg5[%squeeze3A_372, %dma_start3A_379, %dma_start3A_380] : memref<10000x32x100xf32, #tpu.memory_space<hbm>> -> memref<1x32x100xf32, #tpu.memory_space<hbm>>
    %dma_start3A_382 = tpu.memref_squeeze %dma_start3A_381 : memref<1x32x100xf32, #tpu.memory_space<hbm>> -> memref<32x100xf32, #tpu.memory_space<hbm>>
    %dma_start3A_383 = tpu.memref_slice %arg12[%dma_start3A_374] : memref<8x!tpu.dma_semaphore, #tpu.memory_space<semaphore_mem>> -> memref<1x!tpu.dma_semaphore, #tpu.memory_space<semaphore_mem>>
    %dma_start3A_384 = tpu.memref_squeeze %dma_start3A_383 : memref<1x!tpu.dma_semaphore, #tpu.memory_space<semaphore_mem>> -> memref<!tpu.dma_semaphore, #tpu.memory_space<semaphore_mem>>
    %dma_start3A_385 = arith.constant 0 : i32
    %dma_start3A_386 = arith.constant 0 : i32
    %dma_start3A_387 = tpu.memref_slice %arg10[%dma_start3A_373, %dma_start3A_385, %dma_start3A_386] : memref<8x32x100xf32, #tpu.memory_space<vmem>> -> memref<1x32x100xf32, #tpu.memory_space<vmem>>
    %dma_start3A_388 = tpu.memref_squeeze %dma_start3A_387 : memref<1x32x100xf32, #tpu.memory_space<vmem>> -> memref<32x100xf32, #tpu.memory_space<vmem>>
    %dma_start3A_389 = arith.constant 0 : i32
    %dma_start3A_390 = arith.constant 0 : i32
    %dma_start3A_391 = tpu.memref_slice %arg5[%squeeze3A_372, %dma_start3A_389, %dma_start3A_390] : memref<10000x32x100xf32, #tpu.memory_space<hbm>> -> memref<1x32x100xf32, #tpu.memory_space<hbm>>
    %dma_start3A_392 = tpu.memref_squeeze %dma_start3A_391 : memref<1x32x100xf32, #tpu.memory_space<hbm>> -> memref<32x100xf32, #tpu.memory_space<hbm>>
    tpu.enqueue_dma source(%dma_start3A_392 : memref<32x100xf32, #tpu.memory_space<hbm>>) target(%dma_start3A_388 : memref<32x100xf32, #tpu.memory_space<vmem>>) target_semaphore(%dma_start3A_384 : memref<!tpu.dma_semaphore, #tpu.memory_space<semaphore_mem>>)
    %get3A_393 = arith.constant 3 : index
    %get3A_394 = tpu.vector_load %arg7[%get3A_393] {strides = array<i32>} : memref<528xi32, #tpu.memory_space<vmem>>, vector<16xi32>,
    %slice3A_395 = vector.extract_strided_slice %get3A_394 {offsets = [0], sizes = [1], strides = [1]} : vector<16xi32> to vector<1xi32>
    %squeeze3A_396 = vector.extract %slice3A_395[0] : i32 from vector<1xi32>
    %dma_start3A_397 = arith.constant 3 : i32
    %dma_start3A_398 = arith.constant 3 : i32
    %dma_start3A_399 = arith.constant 0 : i32
    %dma_start3A_400 = arith.constant 0 : i32
    %dma_start3A_401 = tpu.memref_slice %arg10[%dma_start3A_397, %dma_start3A_399, %dma_start3A_400] : memref<8x32x100xf32, #tpu.memory_space<vmem>> -> memref<1x32x100xf32, #tpu.memory_space<vmem>>
    %dma_start3A_402 = tpu.memref_squeeze %dma_start3A_401 : memref<1x32x100xf32, #tpu.memory_space<vmem>> -> memref<32x100xf32, #tpu.memory_space<vmem>>
    %dma_start3A_403 = arith.constant 0 : i32
    %dma_start3A_404 = arith.constant 0 : i32
    %dma_start3A_405 = tpu.memref_slice %arg5[%squeeze3A_396, %dma_start3A_403, %dma_start3A_404] : memref<10000x32x100xf32, #tpu.memory_space<hbm>> -> memref<1x32x100xf32, #tpu.memory_space<hbm>>
    %dma_start3A_406 = tpu.memref_squeeze %dma_start3A_405 : memref<1x32x100xf32, #tpu.memory_space<hbm>> -> memref<32x100xf32, #tpu.memory_space<hbm>>
    %dma_start3A_407 = tpu.memref_slice %arg12[%dma_start3A_398] : memref<8x!tpu.dma_semaphore, #tpu.memory_space<semaphore_mem>> -> memref<1x!tpu.dma_semaphore, #tpu.memory_space<semaphore_mem>>
    %dma_start3A_408 = tpu.memref_squeeze %dma_start3A_407 : memref<1x!tpu.dma_semaphore, #tpu.memory_space<semaphore_mem>> -> memref<!tpu.dma_semaphore, #tpu.memory_space<semaphore_mem>>
    %dma_start3A_409 = arith.constant 0 : i32
    %dma_start3A_410 = arith.constant 0 : i32
    %dma_start3A_411 = tpu.memref_slice %arg10[%dma_start3A_397, %dma_start3A_409, %dma_start3A_410] : memref<8x32x100xf32, #tpu.memory_space<vmem>> -> memref<1x32x100xf32, #tpu.memory_space<vmem>>
    %dma_start3A_412 = tpu.memref_squeeze %dma_start3A_411 : memref<1x32x100xf32, #tpu.memory_space<vmem>> -> memref<32x100xf32, #tpu.memory_space<vmem>>
    %dma_start3A_413 = arith.constant 0 : i32
    %dma_start3A_414 = arith.constant 0 : i32
    %dma_start3A_415 = tpu.memref_slice %arg5[%squeeze3A_396, %dma_start3A_413, %dma_start3A_414] : memref<10000x32x100xf32, #tpu.memory_space<hbm>> -> memref<1x32x100xf32, #tpu.memory_space<hbm>>
    %dma_start3A_416 = tpu.memref_squeeze %dma_start3A_415 : memref<1x32x100xf32, #tpu.memory_space<hbm>> -> memref<32x100xf32, #tpu.memory_space<hbm>>
    tpu.enqueue_dma source(%dma_start3A_416 : memref<32x100xf32, #tpu.memory_space<hbm>>) target(%dma_start3A_412 : memref<32x100xf32, #tpu.memory_space<vmem>>) target_semaphore(%dma_start3A_408 : memref<!tpu.dma_semaphore, #tpu.memory_space<semaphore_mem>>)
    %get3A_417 = arith.constant 4 : index
    %get3A_418 = tpu.vector_load %arg7[%get3A_417] {strides = array<i32>} : memref<528xi32, #tpu.memory_space<vmem>>, vector<16xi32>,
    %slice3A_419 = vector.extract_strided_slice %get3A_418 {offsets = [0], sizes = [1], strides = [1]} : vector<16xi32> to vector<1xi32>
    %squeeze3A_420 = vector.extract %slice3A_419[0] : i32 from vector<1xi32>
    %dma_start3A_421 = arith.constant 4 : i32
    %dma_start3A_422 = arith.constant 4 : i32
    %dma_start3A_423 = arith.constant 0 : i32
    %dma_start3A_424 = arith.constant 0 : i32
    %dma_start3A_425 = tpu.memref_slice %arg10[%dma_start3A_421, %dma_start3A_423, %dma_start3A_424] : memref<8x32x100xf32, #tpu.memory_space<vmem>> -> memref<1x32x100xf32, #tpu.memory_space<vmem>>
    %dma_start3A_426 = tpu.memref_squeeze %dma_start3A_425 : memref<1x32x100xf32, #tpu.memory_space<vmem>> -> memref<32x100xf32, #tpu.memory_space<vmem>>
    %dma_start3A_427 = arith.constant 0 : i32
    %dma_start3A_428 = arith.constant 0 : i32
    %dma_start3A_429 = tpu.memref_slice %arg5[%squeeze3A_420, %dma_start3A_427, %dma_start3A_428] : memref<10000x32x100xf32, #tpu.memory_space<hbm>> -> memref<1x32x100xf32, #tpu.memory_space<hbm>>
    %dma_start3A_430 = tpu.memref_squeeze %dma_start3A_429 : memref<1x32x100xf32, #tpu.memory_space<hbm>> -> memref<32x100xf32, #tpu.memory_space<hbm>>
    %dma_start3A_431 = tpu.memref_slice %arg12[%dma_start3A_422] : memref<8x!tpu.dma_semaphore, #tpu.memory_space<semaphore_mem>> -> memref<1x!tpu.dma_semaphore, #tpu.memory_space<semaphore_mem>>
    %dma_start3A_432 = tpu.memref_squeeze %dma_start3A_431 : memref<1x!tpu.dma_semaphore, #tpu.memory_space<semaphore_mem>> -> memref<!tpu.dma_semaphore, #tpu.memory_space<semaphore_mem>>
    %dma_start3A_433 = arith.constant 0 : i32
    %dma_start3A_434 = arith.constant 0 : i32
    %dma_start3A_435 = tpu.memref_slice %arg10[%dma_start3A_421, %dma_start3A_433, %dma_start3A_434] : memref<8x32x100xf32, #tpu.memory_space<vmem>> -> memref<1x32x100xf32, #tpu.memory_space<vmem>>
    %dma_start3A_436 = tpu.memref_squeeze %dma_start3A_435 : memref<1x32x100xf32, #tpu.memory_space<vmem>> -> memref<32x100xf32, #tpu.memory_space<vmem>>
    %dma_start3A_437 = arith.constant 0 : i32
    %dma_start3A_438 = arith.constant 0 : i32
    %dma_start3A_439 = tpu.memref_slice %arg5[%squeeze3A_420, %dma_start3A_437, %dma_start3A_438] : memref<10000x32x100xf32, #tpu.memory_space<hbm>> -> memref<1x32x100xf32, #tpu.memory_space<hbm>>
    %dma_start3A_440 = tpu.memref_squeeze %dma_start3A_439 : memref<1x32x100xf32, #tpu.memory_space<hbm>> -> memref<32x100xf32, #tpu.memory_space<hbm>>
    tpu.enqueue_dma source(%dma_start3A_440 : memref<32x100xf32, #tpu.memory_space<hbm>>) target(%dma_start3A_436 : memref<32x100xf32, #tpu.memory_space<vmem>>) target_semaphore(%dma_start3A_432 : memref<!tpu.dma_semaphore, #tpu.memory_space<semaphore_mem>>)
    %get3A_441 = arith.constant 5 : index
    %get3A_442 = tpu.vector_load %arg7[%get3A_441] {strides = array<i32>} : memref<528xi32, #tpu.memory_space<vmem>>, vector<16xi32>,
    %slice3A_443 = vector.extract_strided_slice %get3A_442 {offsets = [0], sizes = [1], strides = [1]} : vector<16xi32> to vector<1xi32>
    %squeeze3A_444 = vector.extract %slice3A_443[0] : i32 from vector<1xi32>
    %dma_start3A_445 = arith.constant 5 : i32
    %dma_start3A_446 = arith.constant 5 : i32
    %dma_start3A_447 = arith.constant 0 : i32
    %dma_start3A_448 = arith.constant 0 : i32
    %dma_start3A_449 = tpu.memref_slice %arg10[%dma_start3A_445, %dma_start3A_447, %dma_start3A_448] : memref<8x32x100xf32, #tpu.memory_space<vmem>> -> memref<1x32x100xf32, #tpu.memory_space<vmem>>
    %dma_start3A_450 = tpu.memref_squeeze %dma_start3A_449 : memref<1x32x100xf32, #tpu.memory_space<vmem>> -> memref<32x100xf32, #tpu.memory_space<vmem>>
    %dma_start3A_451 = arith.constant 0 : i32
    %dma_start3A_452 = arith.constant 0 : i32
    %dma_start3A_453 = tpu.memref_slice %arg5[%squeeze3A_444, %dma_start3A_451, %dma_start3A_452] : memref<10000x32x100xf32, #tpu.memory_space<hbm>> -> memref<1x32x100xf32, #tpu.memory_space<hbm>>
    %dma_start3A_454 = tpu.memref_squeeze %dma_start3A_453 : memref<1x32x100xf32, #tpu.memory_space<hbm>> -> memref<32x100xf32, #tpu.memory_space<hbm>>
    %dma_start3A_455 = tpu.memref_slice %arg12[%dma_start3A_446] : memref<8x!tpu.dma_semaphore, #tpu.memory_space<semaphore_mem>> -> memref<1x!tpu.dma_semaphore, #tpu.memory_space<semaphore_mem>>
    %dma_start3A_456 = tpu.memref_squeeze %dma_start3A_455 : memref<1x!tpu.dma_semaphore, #tpu.memory_space<semaphore_mem>> -> memref<!tpu.dma_semaphore, #tpu.memory_space<semaphore_mem>>
    %dma_start3A_457 = arith.constant 0 : i32
    %dma_start3A_458 = arith.constant 0 : i32
    %dma_start3A_459 = tpu.memref_slice %arg10[%dma_start3A_445, %dma_start3A_457, %dma_start3A_458] : memref<8x32x100xf32, #tpu.memory_space<vmem>> -> memref<1x32x100xf32, #tpu.memory_space<vmem>>
    %dma_start3A_460 = tpu.memref_squeeze %dma_start3A_459 : memref<1x32x100xf32, #tpu.memory_space<vmem>> -> memref<32x100xf32, #tpu.memory_space<vmem>>
    %dma_start3A_461 = arith.constant 0 : i32
    %dma_start3A_462 = arith.constant 0 : i32
    %dma_start3A_463 = tpu.memref_slice %arg5[%squeeze3A_444, %dma_start3A_461, %dma_start3A_462] : memref<10000x32x100xf32, #tpu.memory_space<hbm>> -> memref<1x32x100xf32, #tpu.memory_space<hbm>>
    %dma_start3A_464 = tpu.memref_squeeze %dma_start3A_463 : memref<1x32x100xf32, #tpu.memory_space<hbm>> -> memref<32x100xf32, #tpu.memory_space<hbm>>
    tpu.enqueue_dma source(%dma_start3A_464 : memref<32x100xf32, #tpu.memory_space<hbm>>) target(%dma_start3A_460 : memref<32x100xf32, #tpu.memory_space<vmem>>) target_semaphore(%dma_start3A_456 : memref<!tpu.dma_semaphore, #tpu.memory_space<semaphore_mem>>)
    %get3A_465 = arith.constant 6 : index
    %get3A_466 = tpu.vector_load %arg7[%get3A_465] {strides = array<i32>} : memref<528xi32, #tpu.memory_space<vmem>>, vector<16xi32>,
    %slice3A_467 = vector.extract_strided_slice %get3A_466 {offsets = [0], sizes = [1], strides = [1]} : vector<16xi32> to vector<1xi32>
    %squeeze3A_468 = vector.extract %slice3A_467[0] : i32 from vector<1xi32>
    %dma_start3A_469 = arith.constant 6 : i32
    %dma_start3A_470 = arith.constant 6 : i32
    %dma_start3A_471 = arith.constant 0 : i32
    %dma_start3A_472 = arith.constant 0 : i32
    %dma_start3A_473 = tpu.memref_slice %arg10[%dma_start3A_469, %dma_start3A_471, %dma_start3A_472] : memref<8x32x100xf32, #tpu.memory_space<vmem>> -> memref<1x32x100xf32, #tpu.memory_space<vmem>>
    %dma_start3A_474 = tpu.memref_squeeze %dma_start3A_473 : memref<1x32x100xf32, #tpu.memory_space<vmem>> -> memref<32x100xf32, #tpu.memory_space<vmem>>
    %dma_start3A_475 = arith.constant 0 : i32
    %dma_start3A_476 = arith.constant 0 : i32
    %dma_start3A_477 = tpu.memref_slice %arg5[%squeeze3A_468, %dma_start3A_475, %dma_start3A_476] : memref<10000x32x100xf32, #tpu.memory_space<hbm>> -> memref<1x32x100xf32, #tpu.memory_space<hbm>>
    %dma_start3A_478 = tpu.memref_squeeze %dma_start3A_477 : memref<1x32x100xf32, #tpu.memory_space<hbm>> -> memref<32x100xf32, #tpu.memory_space<hbm>>
    %dma_start3A_479 = tpu.memref_slice %arg12[%dma_start3A_470] : memref<8x!tpu.dma_semaphore, #tpu.memory_space<semaphore_mem>> -> memref<1x!tpu.dma_semaphore, #tpu.memory_space<semaphore_mem>>
    %dma_start3A_480 = tpu.memref_squeeze %dma_start3A_479 : memref<1x!tpu.dma_semaphore, #tpu.memory_space<semaphore_mem>> -> memref<!tpu.dma_semaphore, #tpu.memory_space<semaphore_mem>>
    %dma_start3A_481 = arith.constant 0 : i32
    %dma_start3A_482 = arith.constant 0 : i32
    %dma_start3A_483 = tpu.memref_slice %arg10[%dma_start3A_469, %dma_start3A_481, %dma_start3A_482] : memref<8x32x100xf32, #tpu.memory_space<vmem>> -> memref<1x32x100xf32, #tpu.memory_space<vmem>>
    %dma_start3A_484 = tpu.memref_squeeze %dma_start3A_483 : memref<1x32x100xf32, #tpu.memory_space<vmem>> -> memref<32x100xf32, #tpu.memory_space<vmem>>
    %dma_start3A_485 = arith.constant 0 : i32
    %dma_start3A_486 = arith.constant 0 : i32
    %dma_start3A_487 = tpu.memref_slice %arg5[%squeeze3A_468, %dma_start3A_485, %dma_start3A_486] : memref<10000x32x100xf32, #tpu.memory_space<hbm>> -> memref<1x32x100xf32, #tpu.memory_space<hbm>>
    %dma_start3A_488 = tpu.memref_squeeze %dma_start3A_487 : memref<1x32x100xf32, #tpu.memory_space<hbm>> -> memref<32x100xf32, #tpu.memory_space<hbm>>
    tpu.enqueue_dma source(%dma_start3A_488 : memref<32x100xf32, #tpu.memory_space<hbm>>) target(%dma_start3A_484 : memref<32x100xf32, #tpu.memory_space<vmem>>) target_semaphore(%dma_start3A_480 : memref<!tpu.dma_semaphore, #tpu.memory_space<semaphore_mem>>)
    %get3A_489 = arith.constant 7 : index
    %get3A_490 = tpu.vector_load %arg7[%get3A_489] {strides = array<i32>} : memref<528xi32, #tpu.memory_space<vmem>>, vector<16xi32>,
    %slice3A_491 = vector.extract_strided_slice %get3A_490 {offsets = [0], sizes = [1], strides = [1]} : vector<16xi32> to vector<1xi32>
    %squeeze3A_492 = vector.extract %slice3A_491[0] : i32 from vector<1xi32>
    %dma_start3A_493 = arith.constant 7 : i32
    %dma_start3A_494 = arith.constant 7 : i32
    %dma_start3A_495 = arith.constant 0 : i32
    %dma_start3A_496 = arith.constant 0 : i32
    %dma_start3A_497 = tpu.memref_slice %arg10[%dma_start3A_493, %dma_start3A_495, %dma_start3A_496] : memref<8x32x100xf32, #tpu.memory_space<vmem>> -> memref<1x32x100xf32, #tpu.memory_space<vmem>>
    %dma_start3A_498 = tpu.memref_squeeze %dma_start3A_497 : memref<1x32x100xf32, #tpu.memory_space<vmem>> -> memref<32x100xf32, #tpu.memory_space<vmem>>
    %dma_start3A_499 = arith.constant 0 : i32
    %dma_start3A_500 = arith.constant 0 : i32
    %dma_start3A_501 = tpu.memref_slice %arg5[%squeeze3A_492, %dma_start3A_499, %dma_start3A_500] : memref<10000x32x100xf32, #tpu.memory_space<hbm>> -> memref<1x32x100xf32, #tpu.memory_space<hbm>>
    %dma_start3A_502 = tpu.memref_squeeze %dma_start3A_501 : memref<1x32x100xf32, #tpu.memory_space<hbm>> -> memref<32x100xf32, #tpu.memory_space<hbm>>
    %dma_start3A_503 = tpu.memref_slice %arg12[%dma_start3A_494] : memref<8x!tpu.dma_semaphore, #tpu.memory_space<semaphore_mem>> -> memref<1x!tpu.dma_semaphore, #tpu.memory_space<semaphore_mem>>
    %dma_start3A_504 = tpu.memref_squeeze %dma_start3A_503 : memref<1x!tpu.dma_semaphore, #tpu.memory_space<semaphore_mem>> -> memref<!tpu.dma_semaphore, #tpu.memory_space<semaphore_mem>>
    %dma_start3A_505 = arith.constant 0 : i32
    %dma_start3A_506 = arith.constant 0 : i32
    %dma_start3A_507 = tpu.memref_slice %arg10[%dma_start3A_493, %dma_start3A_505, %dma_start3A_506] : memref<8x32x100xf32, #tpu.memory_space<vmem>> -> memref<1x32x100xf32, #tpu.memory_space<vmem>>
    %dma_start3A_508 = tpu.memref_squeeze %dma_start3A_507 : memref<1x32x100xf32, #tpu.memory_space<vmem>> -> memref<32x100xf32, #tpu.memory_space<vmem>>
    %dma_start3A_509 = arith.constant 0 : i32
    %dma_start3A_510 = arith.constant 0 : i32
    %dma_start3A_511 = tpu.memref_slice %arg5[%squeeze3A_492, %dma_start3A_509, %dma_start3A_510] : memref<10000x32x100xf32, #tpu.memory_space<hbm>> -> memref<1x32x100xf32, #tpu.memory_space<hbm>>
    %dma_start3A_512 = tpu.memref_squeeze %dma_start3A_511 : memref<1x32x100xf32, #tpu.memory_space<hbm>> -> memref<32x100xf32, #tpu.memory_space<hbm>>
    tpu.enqueue_dma source(%dma_start3A_512 : memref<32x100xf32, #tpu.memory_space<hbm>>) target(%dma_start3A_508 : memref<32x100xf32, #tpu.memory_space<vmem>>) target_semaphore(%dma_start3A_504 : memref<!tpu.dma_semaphore, #tpu.memory_space<semaphore_mem>>)
    %scan3A = arith.constant 0 : i32
    %scan3A_513 = arith.constant 0 : i32
    %scan3A_514 = arith.constant 64 : i32
    %scan3A_515 = arith.addi %scan3A_513, %scan3A_514 : i32
    %scan3A_516 = arith.constant 1 : i32
    scf.for %scan3A_518 = %scan3A_513 to %scan3A_515 step %scan3A_516  : i32 {
      %mul3A_519 = arith.constant 8 : i32
      %mul3A_520 = arith.muli %scan3A_518, %mul3A_519 : i32
      %add3A_521 = arith.constant 0 : i32
      %add3A_522 = arith.addi %mul3A_520, %add3A_521 : i32
      %get3A_523 = arith.index_cast %add3A_522 : i32 to index
      %get3A_524 = tpu.vector_load %arg9[%get3A_523] {strides = array<i32>} : memref<528xi32, #tpu.memory_space<vmem>>, vector<16xi32>,
      %slice3A_525 = vector.extract_strided_slice %get3A_524 {offsets = [0], sizes = [1], strides = [1]} : vector<16xi32> to vector<1xi32>
      %squeeze3A_526 = vector.extract %slice3A_525[0] : i32 from vector<1xi32>
      %broadcast_in_dim3A = vector.broadcast %squeeze3A_526 : i32 to vector<16xi32>
      %dma_wait3A = arith.constant 0 : i32
      %dma_wait3A_527 = arith.constant 0 : i32
      %dma_wait3A_528 = arith.constant 0 : i32
      %dma_wait3A_529 = arith.constant 0 : i32
      %dma_wait3A_530 = arith.constant 0 : i32
      %dma_wait3A_531 = tpu.memref_slice %arg10[%dma_wait3A_527, %dma_wait3A_529, %dma_wait3A_530] : memref<8x32x100xf32, #tpu.memory_space<vmem>> -> memref<1x32x100xf32, #tpu.memory_space<vmem>>
      %dma_wait3A_532 = tpu.memref_squeeze %dma_wait3A_531 : memref<1x32x100xf32, #tpu.memory_space<vmem>> -> memref<32x100xf32, #tpu.memory_space<vmem>>
      %dma_wait3A_533 = arith.constant 0 : i32
      %dma_wait3A_534 = arith.constant 0 : i32
      %dma_wait3A_535 = tpu.memref_slice %arg5[%dma_wait3A, %dma_wait3A_533, %dma_wait3A_534] : memref<10000x32x100xf32, #tpu.memory_space<hbm>> -> memref<1x32x100xf32, #tpu.memory_space<hbm>>
      %dma_wait3A_536 = tpu.memref_squeeze %dma_wait3A_535 : memref<1x32x100xf32, #tpu.memory_space<hbm>> -> memref<32x100xf32, #tpu.memory_space<hbm>>
      %dma_wait3A_537 = tpu.memref_slice %arg12[%dma_wait3A_528] : memref<8x!tpu.dma_semaphore, #tpu.memory_space<semaphore_mem>> -> memref<1x!tpu.dma_semaphore, #tpu.memory_space<semaphore_mem>>
      %dma_wait3A_538 = tpu.memref_squeeze %dma_wait3A_537 : memref<1x!tpu.dma_semaphore, #tpu.memory_space<semaphore_mem>> -> memref<!tpu.dma_semaphore, #tpu.memory_space<semaphore_mem>>
      %dma_wait3A_539 = arith.constant 0 : i32
      %dma_wait3A_540 = arith.constant 0 : i32
      %dma_wait3A_541 = tpu.memref_slice %arg10[%dma_wait3A_527, %dma_wait3A_539, %dma_wait3A_540] : memref<8x32x100xf32, #tpu.memory_space<vmem>> -> memref<1x32x100xf32, #tpu.memory_space<vmem>>
      %dma_wait3A_542 = tpu.memref_squeeze %dma_wait3A_541 : memref<1x32x100xf32, #tpu.memory_space<vmem>> -> memref<32x100xf32, #tpu.memory_space<vmem>>
      %dma_wait3A_543 = arith.constant 0 : i32
      %dma_wait3A_544 = arith.constant 0 : i32
      %dma_wait3A_545 = tpu.memref_slice %arg5[%dma_wait3A, %dma_wait3A_543, %dma_wait3A_544] : memref<10000x32x100xf32, #tpu.memory_space<hbm>> -> memref<1x32x100xf32, #tpu.memory_space<hbm>>
      %dma_wait3A_546 = tpu.memref_squeeze %dma_wait3A_545 : memref<1x32x100xf32, #tpu.memory_space<hbm>> -> memref<32x100xf32, #tpu.memory_space<hbm>>
      tpu.wait_dma2 semaphore(%dma_wait3A_538 : memref<!tpu.dma_semaphore, #tpu.memory_space<semaphore_mem>>) src(%dma_wait3A_546 : memref<32x100xf32, #tpu.memory_space<hbm>>) dst(%dma_wait3A_542 : memref<32x100xf32, #tpu.memory_space<vmem>>)
      %gather3A = arith.constant 0 : i32
      %gather3A_547 = arith.constant 0 : i32
      %gather3A_548 = arith.constant 0 : i32
      %gather3A_549 = tpu.memref_slice %arg10[%gather3A, %gather3A_547, %gather3A_548] : memref<8x32x100xf32, #tpu.memory_space<vmem>> -> memref<1x32x100xf32, #tpu.memory_space<vmem>>
      %gather3A_550 = tpu.memref_squeeze %gather3A_549 : memref<1x32x100xf32, #tpu.memory_space<vmem>> -> memref<32x100xf32, #tpu.memory_space<vmem>>
      %gather3A_551 = tpu.vector_load_idx %gather3A_550[%iota3A, %broadcast_in_dim3A] : memref<32x100xf32, #tpu.memory_space<vmem>>[vector<16xi32>, vector<16xi32>], vector<16xf32>,
      %gather3A_552 = arith.constant 0 : i32
      %gather3A_553 = arith.constant 0 : i32
      %gather3A_554 = arith.constant 0 : i32
      %gather3A_555 = tpu.memref_slice %arg10[%gather3A_552, %gather3A_553, %gather3A_554] : memref<8x32x100xf32, #tpu.memory_space<vmem>> -> memref<1x32x100xf32, #tpu.memory_space<vmem>>
      %gather3A_556 = tpu.memref_squeeze %gather3A_555 : memref<1x32x100xf32, #tpu.memory_space<vmem>> -> memref<32x100xf32, #tpu.memory_space<vmem>>
      %gather3A_557 = tpu.vector_load_idx %gather3A_556[%add3A_323, %broadcast_in_dim3A] : memref<32x100xf32, #tpu.memory_space<vmem>>[vector<16xi32>, vector<16xi32>], vector<16xf32>,
      %swap3A_558 = arith.index_cast %add3A_522 : i32 to index
      %swap3A_559 = arith.constant 0 : index
      %swap3A_560 = tpu.vector_load %arg11[%swap3A_558, %swap3A_559] {strides = array<i32>} : memref<512x32xf32, #tpu.memory_space<vmem>>, vector<16xf32>,
      tpu.vector_store %arg11[%swap3A_558, %swap3A_559], %gather3A_551 {strides = array<i32>} : memref<512x32xf32, #tpu.memory_space<vmem>>, vector<16xf32>,
      %swap3A_561 = arith.index_cast %add3A_522 : i32 to index
      %swap3A_562 = arith.constant 16 : index
      %swap3A_563 = tpu.vector_load %arg11[%swap3A_561, %swap3A_562] {strides = array<i32>} : memref<512x32xf32, #tpu.memory_space<vmem>>, vector<16xf32>,
      tpu.vector_store %arg11[%swap3A_561, %swap3A_562], %gather3A_557 {strides = array<i32>} : memref<512x32xf32, #tpu.memory_space<vmem>>, vector<16xf32>,
      %add3A_564 = arith.constant 8 : i32
      %add3A_565 = arith.addi %add3A_522, %add3A_564 : i32
      %lt3A = arith.constant 512 : i32
      %lt3A_566 = arith.cmpi slt, %add3A_565, %lt3A : i32
      %convert_element_type3A = arith.extui %lt3A_566 : i1 to i32
      %cond3A = arith.constant 0 : i32
      %cond3A_567 = arith.cmpi ne, %convert_element_type3A, %cond3A : i32
      scf.if %cond3A_567 {
        %add3A_953 = arith.constant 8 : i32
        %add3A_954 = arith.addi %add3A_522, %add3A_953 : i32
        %get3A_955 = arith.index_cast %add3A_954 : i32 to index
        %get3A_956 = tpu.vector_load %arg7[%get3A_955] {strides = array<i32>} : memref<528xi32, #tpu.memory_space<vmem>>, vector<16xi32>,
        %slice3A_957 = vector.extract_strided_slice %get3A_956 {offsets = [0], sizes = [1], strides = [1]} : vector<16xi32> to vector<1xi32>
        %squeeze3A_958 = vector.extract %slice3A_957[0] : i32 from vector<1xi32>
        %dma_start3A_959 = arith.constant 0 : i32
        %dma_start3A_960 = arith.constant 0 : i32
        %dma_start3A_961 = arith.constant 0 : i32
        %dma_start3A_962 = arith.constant 0 : i32
        %dma_start3A_963 = tpu.memref_slice %arg10[%dma_start3A_959, %dma_start3A_961, %dma_start3A_962] : memref<8x32x100xf32, #tpu.memory_space<vmem>> -> memref<1x32x100xf32, #tpu.memory_space<vmem>>
        %dma_start3A_964 = tpu.memref_squeeze %dma_start3A_963 : memref<1x32x100xf32, #tpu.memory_space<vmem>> -> memref<32x100xf32, #tpu.memory_space<vmem>>
        %dma_start3A_965 = arith.constant 0 : i32
        %dma_start3A_966 = arith.constant 0 : i32
        %dma_start3A_967 = tpu.memref_slice %arg5[%squeeze3A_958, %dma_start3A_965, %dma_start3A_966] : memref<10000x32x100xf32, #tpu.memory_space<hbm>> -> memref<1x32x100xf32, #tpu.memory_space<hbm>>
        %dma_start3A_968 = tpu.memref_squeeze %dma_start3A_967 : memref<1x32x100xf32, #tpu.memory_space<hbm>> -> memref<32x100xf32, #tpu.memory_space<hbm>>
        %dma_start3A_969 = tpu.memref_slice %arg12[%dma_start3A_960] : memref<8x!tpu.dma_semaphore, #tpu.memory_space<semaphore_mem>> -> memref<1x!tpu.dma_semaphore, #tpu.memory_space<semaphore_mem>>
        %dma_start3A_970 = tpu.memref_squeeze %dma_start3A_969 : memref<1x!tpu.dma_semaphore, #tpu.memory_space<semaphore_mem>> -> memref<!tpu.dma_semaphore, #tpu.memory_space<semaphore_mem>>
        %dma_start3A_971 = arith.constant 0 : i32
        %dma_start3A_972 = arith.constant 0 : i32
        %dma_start3A_973 = tpu.memref_slice %arg10[%dma_start3A_959, %dma_start3A_971, %dma_start3A_972] : memref<8x32x100xf32, #tpu.memory_space<vmem>> -> memref<1x32x100xf32, #tpu.memory_space<vmem>>
        %dma_start3A_974 = tpu.memref_squeeze %dma_start3A_973 : memref<1x32x100xf32, #tpu.memory_space<vmem>> -> memref<32x100xf32, #tpu.memory_space<vmem>>
        %dma_start3A_975 = arith.constant 0 : i32
        %dma_start3A_976 = arith.constant 0 : i32
        %dma_start3A_977 = tpu.memref_slice %arg5[%squeeze3A_958, %dma_start3A_975, %dma_start3A_976] : memref<10000x32x100xf32, #tpu.memory_space<hbm>> -> memref<1x32x100xf32, #tpu.memory_space<hbm>>
        %dma_start3A_978 = tpu.memref_squeeze %dma_start3A_977 : memref<1x32x100xf32, #tpu.memory_space<hbm>> -> memref<32x100xf32, #tpu.memory_space<hbm>>
        tpu.enqueue_dma source(%dma_start3A_978 : memref<32x100xf32, #tpu.memory_space<hbm>>) target(%dma_start3A_974 : memref<32x100xf32, #tpu.memory_space<vmem>>) target_semaphore(%dma_start3A_970 : memref<!tpu.dma_semaphore, #tpu.memory_space<semaphore_mem>>)
      } else {
      }
      %mul3A_568 = arith.constant 8 : i32
      %mul3A_569 = arith.muli %scan3A_518, %mul3A_568 : i32
      %add3A_570 = arith.constant 1 : i32
      %add3A_571 = arith.addi %mul3A_569, %add3A_570 : i32
      %get3A_572 = arith.index_cast %add3A_571 : i32 to index
      %get3A_573 = tpu.vector_load %arg9[%get3A_572] {strides = array<i32>} : memref<528xi32, #tpu.memory_space<vmem>>, vector<16xi32>,
      %slice3A_574 = vector.extract_strided_slice %get3A_573 {offsets = [0], sizes = [1], strides = [1]} : vector<16xi32> to vector<1xi32>
      %squeeze3A_575 = vector.extract %slice3A_574[0] : i32 from vector<1xi32>
      %broadcast_in_dim3A_576 = vector.broadcast %squeeze3A_575 : i32 to vector<16xi32>
      %dma_wait3A_577 = arith.constant 0 : i32
      %dma_wait3A_578 = arith.constant 1 : i32
      %dma_wait3A_579 = arith.constant 1 : i32
      %dma_wait3A_580 = arith.constant 0 : i32
      %dma_wait3A_581 = arith.constant 0 : i32
      %dma_wait3A_582 = tpu.memref_slice %arg10[%dma_wait3A_578, %dma_wait3A_580, %dma_wait3A_581] : memref<8x32x100xf32, #tpu.memory_space<vmem>> -> memref<1x32x100xf32, #tpu.memory_space<vmem>>
      %dma_wait3A_583 = tpu.memref_squeeze %dma_wait3A_582 : memref<1x32x100xf32, #tpu.memory_space<vmem>> -> memref<32x100xf32, #tpu.memory_space<vmem>>
      %dma_wait3A_584 = arith.constant 0 : i32
      %dma_wait3A_585 = arith.constant 0 : i32
      %dma_wait3A_586 = tpu.memref_slice %arg5[%dma_wait3A_577, %dma_wait3A_584, %dma_wait3A_585] : memref<10000x32x100xf32, #tpu.memory_space<hbm>> -> memref<1x32x100xf32, #tpu.memory_space<hbm>>
      %dma_wait3A_587 = tpu.memref_squeeze %dma_wait3A_586 : memref<1x32x100xf32, #tpu.memory_space<hbm>> -> memref<32x100xf32, #tpu.memory_space<hbm>>
      %dma_wait3A_588 = tpu.memref_slice %arg12[%dma_wait3A_579] : memref<8x!tpu.dma_semaphore, #tpu.memory_space<semaphore_mem>> -> memref<1x!tpu.dma_semaphore, #tpu.memory_space<semaphore_mem>>
      %dma_wait3A_589 = tpu.memref_squeeze %dma_wait3A_588 : memref<1x!tpu.dma_semaphore, #tpu.memory_space<semaphore_mem>> -> memref<!tpu.dma_semaphore, #tpu.memory_space<semaphore_mem>>
      %dma_wait3A_590 = arith.constant 0 : i32
      %dma_wait3A_591 = arith.constant 0 : i32
      %dma_wait3A_592 = tpu.memref_slice %arg10[%dma_wait3A_578, %dma_wait3A_590, %dma_wait3A_591] : memref<8x32x100xf32, #tpu.memory_space<vmem>> -> memref<1x32x100xf32, #tpu.memory_space<vmem>>
      %dma_wait3A_593 = tpu.memref_squeeze %dma_wait3A_592 : memref<1x32x100xf32, #tpu.memory_space<vmem>> -> memref<32x100xf32, #tpu.memory_space<vmem>>
      %dma_wait3A_594 = arith.constant 0 : i32
      %dma_wait3A_595 = arith.constant 0 : i32
      %dma_wait3A_596 = tpu.memref_slice %arg5[%dma_wait3A_577, %dma_wait3A_594, %dma_wait3A_595] : memref<10000x32x100xf32, #tpu.memory_space<hbm>> -> memref<1x32x100xf32, #tpu.memory_space<hbm>>
      %dma_wait3A_597 = tpu.memref_squeeze %dma_wait3A_596 : memref<1x32x100xf32, #tpu.memory_space<hbm>> -> memref<32x100xf32, #tpu.memory_space<hbm>>
      tpu.wait_dma2 semaphore(%dma_wait3A_589 : memref<!tpu.dma_semaphore, #tpu.memory_space<semaphore_mem>>) src(%dma_wait3A_597 : memref<32x100xf32, #tpu.memory_space<hbm>>) dst(%dma_wait3A_593 : memref<32x100xf32, #tpu.memory_space<vmem>>)
      %gather3A_598 = arith.constant 1 : i32
      %gather3A_599 = arith.constant 0 : i32
      %gather3A_600 = arith.constant 0 : i32
      %gather3A_601 = tpu.memref_slice %arg10[%gather3A_598, %gather3A_599, %gather3A_600] : memref<8x32x100xf32, #tpu.memory_space<vmem>> -> memref<1x32x100xf32, #tpu.memory_space<vmem>>
      %gather3A_602 = tpu.memref_squeeze %gather3A_601 : memref<1x32x100xf32, #tpu.memory_space<vmem>> -> memref<32x100xf32, #tpu.memory_space<vmem>>
      %gather3A_603 = tpu.vector_load_idx %gather3A_602[%iota3A, %broadcast_in_dim3A_576] : memref<32x100xf32, #tpu.memory_space<vmem>>[vector<16xi32>, vector<16xi32>], vector<16xf32>,
      %gather3A_604 = arith.constant 1 : i32
      %gather3A_605 = arith.constant 0 : i32
      %gather3A_606 = arith.constant 0 : i32
      %gather3A_607 = tpu.memref_slice %arg10[%gather3A_604, %gather3A_605, %gather3A_606] : memref<8x32x100xf32, #tpu.memory_space<vmem>> -> memref<1x32x100xf32, #tpu.memory_space<vmem>>
      %gather3A_608 = tpu.memref_squeeze %gather3A_607 : memref<1x32x100xf32, #tpu.memory_space<vmem>> -> memref<32x100xf32, #tpu.memory_space<vmem>>
      %gather3A_609 = tpu.vector_load_idx %gather3A_608[%add3A_323, %broadcast_in_dim3A_576] : memref<32x100xf32, #tpu.memory_space<vmem>>[vector<16xi32>, vector<16xi32>], vector<16xf32>,
      %swap3A_610 = arith.index_cast %add3A_571 : i32 to index
      %swap3A_611 = arith.constant 0 : index
      %swap3A_612 = tpu.vector_load %arg11[%swap3A_610, %swap3A_611] {strides = array<i32>} : memref<512x32xf32, #tpu.memory_space<vmem>>, vector<16xf32>,
      tpu.vector_store %arg11[%swap3A_610, %swap3A_611], %gather3A_603 {strides = array<i32>} : memref<512x32xf32, #tpu.memory_space<vmem>>, vector<16xf32>,
      %swap3A_613 = arith.index_cast %add3A_571 : i32 to index
      %swap3A_614 = arith.constant 16 : index
      %swap3A_615 = tpu.vector_load %arg11[%swap3A_613, %swap3A_614] {strides = array<i32>} : memref<512x32xf32, #tpu.memory_space<vmem>>, vector<16xf32>,
      tpu.vector_store %arg11[%swap3A_613, %swap3A_614], %gather3A_609 {strides = array<i32>} : memref<512x32xf32, #tpu.memory_space<vmem>>, vector<16xf32>,
      %add3A_616 = arith.constant 8 : i32
      %add3A_617 = arith.addi %add3A_571, %add3A_616 : i32
      %lt3A_618 = arith.constant 512 : i32
      %lt3A_619 = arith.cmpi slt, %add3A_617, %lt3A_618 : i32
      %convert_element_type3A_620 = arith.extui %lt3A_619 : i1 to i32
      %cond3A_621 = arith.constant 0 : i32
      %cond3A_622 = arith.cmpi ne, %convert_element_type3A_620, %cond3A_621 : i32
      scf.if %cond3A_622 {
        %add3A_953 = arith.constant 8 : i32
        %add3A_954 = arith.addi %add3A_571, %add3A_953 : i32
        %get3A_955 = arith.index_cast %add3A_954 : i32 to index
        %get3A_956 = tpu.vector_load %arg7[%get3A_955] {strides = array<i32>} : memref<528xi32, #tpu.memory_space<vmem>>, vector<16xi32>,
        %slice3A_957 = vector.extract_strided_slice %get3A_956 {offsets = [0], sizes = [1], strides = [1]} : vector<16xi32> to vector<1xi32>
        %squeeze3A_958 = vector.extract %slice3A_957[0] : i32 from vector<1xi32>
        %dma_start3A_959 = arith.constant 1 : i32
        %dma_start3A_960 = arith.constant 1 : i32
        %dma_start3A_961 = arith.constant 0 : i32
        %dma_start3A_962 = arith.constant 0 : i32
        %dma_start3A_963 = tpu.memref_slice %arg10[%dma_start3A_959, %dma_start3A_961, %dma_start3A_962] : memref<8x32x100xf32, #tpu.memory_space<vmem>> -> memref<1x32x100xf32, #tpu.memory_space<vmem>>
        %dma_start3A_964 = tpu.memref_squeeze %dma_start3A_963 : memref<1x32x100xf32, #tpu.memory_space<vmem>> -> memref<32x100xf32, #tpu.memory_space<vmem>>
        %dma_start3A_965 = arith.constant 0 : i32
        %dma_start3A_966 = arith.constant 0 : i32
        %dma_start3A_967 = tpu.memref_slice %arg5[%squeeze3A_958, %dma_start3A_965, %dma_start3A_966] : memref<10000x32x100xf32, #tpu.memory_space<hbm>> -> memref<1x32x100xf32, #tpu.memory_space<hbm>>
        %dma_start3A_968 = tpu.memref_squeeze %dma_start3A_967 : memref<1x32x100xf32, #tpu.memory_space<hbm>> -> memref<32x100xf32, #tpu.memory_space<hbm>>
        %dma_start3A_969 = tpu.memref_slice %arg12[%dma_start3A_960] : memref<8x!tpu.dma_semaphore, #tpu.memory_space<semaphore_mem>> -> memref<1x!tpu.dma_semaphore, #tpu.memory_space<semaphore_mem>>
        %dma_start3A_970 = tpu.memref_squeeze %dma_start3A_969 : memref<1x!tpu.dma_semaphore, #tpu.memory_space<semaphore_mem>> -> memref<!tpu.dma_semaphore, #tpu.memory_space<semaphore_mem>>
        %dma_start3A_971 = arith.constant 0 : i32
        %dma_start3A_972 = arith.constant 0 : i32
        %dma_start3A_973 = tpu.memref_slice %arg10[%dma_start3A_959, %dma_start3A_971, %dma_start3A_972] : memref<8x32x100xf32, #tpu.memory_space<vmem>> -> memref<1x32x100xf32, #tpu.memory_space<vmem>>
        %dma_start3A_974 = tpu.memref_squeeze %dma_start3A_973 : memref<1x32x100xf32, #tpu.memory_space<vmem>> -> memref<32x100xf32, #tpu.memory_space<vmem>>
        %dma_start3A_975 = arith.constant 0 : i32
        %dma_start3A_976 = arith.constant 0 : i32
        %dma_start3A_977 = tpu.memref_slice %arg5[%squeeze3A_958, %dma_start3A_975, %dma_start3A_976] : memref<10000x32x100xf32, #tpu.memory_space<hbm>> -> memref<1x32x100xf32, #tpu.memory_space<hbm>>
        %dma_start3A_978 = tpu.memref_squeeze %dma_start3A_977 : memref<1x32x100xf32, #tpu.memory_space<hbm>> -> memref<32x100xf32, #tpu.memory_space<hbm>>
        tpu.enqueue_dma source(%dma_start3A_978 : memref<32x100xf32, #tpu.memory_space<hbm>>) target(%dma_start3A_974 : memref<32x100xf32, #tpu.memory_space<vmem>>) target_semaphore(%dma_start3A_970 : memref<!tpu.dma_semaphore, #tpu.memory_space<semaphore_mem>>)
      } else {
      }
      %mul3A_623 = arith.constant 8 : i32
      %mul3A_624 = arith.muli %scan3A_518, %mul3A_623 : i32
      %add3A_625 = arith.constant 2 : i32
      %add3A_626 = arith.addi %mul3A_624, %add3A_625 : i32
      %get3A_627 = arith.index_cast %add3A_626 : i32 to index
      %get3A_628 = tpu.vector_load %arg9[%get3A_627] {strides = array<i32>} : memref<528xi32, #tpu.memory_space<vmem>>, vector<16xi32>,
      %slice3A_629 = vector.extract_strided_slice %get3A_628 {offsets = [0], sizes = [1], strides = [1]} : vector<16xi32> to vector<1xi32>
      %squeeze3A_630 = vector.extract %slice3A_629[0] : i32 from vector<1xi32>
      %broadcast_in_dim3A_631 = vector.broadcast %squeeze3A_630 : i32 to vector<16xi32>
      %dma_wait3A_632 = arith.constant 0 : i32
      %dma_wait3A_633 = arith.constant 2 : i32
      %dma_wait3A_634 = arith.constant 2 : i32
      %dma_wait3A_635 = arith.constant 0 : i32
      %dma_wait3A_636 = arith.constant 0 : i32
      %dma_wait3A_637 = tpu.memref_slice %arg10[%dma_wait3A_633, %dma_wait3A_635, %dma_wait3A_636] : memref<8x32x100xf32, #tpu.memory_space<vmem>> -> memref<1x32x100xf32, #tpu.memory_space<vmem>>
      %dma_wait3A_638 = tpu.memref_squeeze %dma_wait3A_637 : memref<1x32x100xf32, #tpu.memory_space<vmem>> -> memref<32x100xf32, #tpu.memory_space<vmem>>
      %dma_wait3A_639 = arith.constant 0 : i32
      %dma_wait3A_640 = arith.constant 0 : i32
      %dma_wait3A_641 = tpu.memref_slice %arg5[%dma_wait3A_632, %dma_wait3A_639, %dma_wait3A_640] : memref<10000x32x100xf32, #tpu.memory_space<hbm>> -> memref<1x32x100xf32, #tpu.memory_space<hbm>>
      %dma_wait3A_642 = tpu.memref_squeeze %dma_wait3A_641 : memref<1x32x100xf32, #tpu.memory_space<hbm>> -> memref<32x100xf32, #tpu.memory_space<hbm>>
      %dma_wait3A_643 = tpu.memref_slice %arg12[%dma_wait3A_634] : memref<8x!tpu.dma_semaphore, #tpu.memory_space<semaphore_mem>> -> memref<1x!tpu.dma_semaphore, #tpu.memory_space<semaphore_mem>>
      %dma_wait3A_644 = tpu.memref_squeeze %dma_wait3A_643 : memref<1x!tpu.dma_semaphore, #tpu.memory_space<semaphore_mem>> -> memref<!tpu.dma_semaphore, #tpu.memory_space<semaphore_mem>>
      %dma_wait3A_645 = arith.constant 0 : i32
      %dma_wait3A_646 = arith.constant 0 : i32
      %dma_wait3A_647 = tpu.memref_slice %arg10[%dma_wait3A_633, %dma_wait3A_645, %dma_wait3A_646] : memref<8x32x100xf32, #tpu.memory_space<vmem>> -> memref<1x32x100xf32, #tpu.memory_space<vmem>>
      %dma_wait3A_648 = tpu.memref_squeeze %dma_wait3A_647 : memref<1x32x100xf32, #tpu.memory_space<vmem>> -> memref<32x100xf32, #tpu.memory_space<vmem>>
      %dma_wait3A_649 = arith.constant 0 : i32
      %dma_wait3A_650 = arith.constant 0 : i32
      %dma_wait3A_651 = tpu.memref_slice %arg5[%dma_wait3A_632, %dma_wait3A_649, %dma_wait3A_650] : memref<10000x32x100xf32, #tpu.memory_space<hbm>> -> memref<1x32x100xf32, #tpu.memory_space<hbm>>
      %dma_wait3A_652 = tpu.memref_squeeze %dma_wait3A_651 : memref<1x32x100xf32, #tpu.memory_space<hbm>> -> memref<32x100xf32, #tpu.memory_space<hbm>>
      tpu.wait_dma2 semaphore(%dma_wait3A_644 : memref<!tpu.dma_semaphore, #tpu.memory_space<semaphore_mem>>) src(%dma_wait3A_652 : memref<32x100xf32, #tpu.memory_space<hbm>>) dst(%dma_wait3A_648 : memref<32x100xf32, #tpu.memory_space<vmem>>)
      %gather3A_653 = arith.constant 2 : i32
      %gather3A_654 = arith.constant 0 : i32
      %gather3A_655 = arith.constant 0 : i32
      %gather3A_656 = tpu.memref_slice %arg10[%gather3A_653, %gather3A_654, %gather3A_655] : memref<8x32x100xf32, #tpu.memory_space<vmem>> -> memref<1x32x100xf32, #tpu.memory_space<vmem>>
      %gather3A_657 = tpu.memref_squeeze %gather3A_656 : memref<1x32x100xf32, #tpu.memory_space<vmem>> -> memref<32x100xf32, #tpu.memory_space<vmem>>
      %gather3A_658 = tpu.vector_load_idx %gather3A_657[%iota3A, %broadcast_in_dim3A_631] : memref<32x100xf32, #tpu.memory_space<vmem>>[vector<16xi32>, vector<16xi32>], vector<16xf32>,
      %gather3A_659 = arith.constant 2 : i32
      %gather3A_660 = arith.constant 0 : i32
      %gather3A_661 = arith.constant 0 : i32
      %gather3A_662 = tpu.memref_slice %arg10[%gather3A_659, %gather3A_660, %gather3A_661] : memref<8x32x100xf32, #tpu.memory_space<vmem>> -> memref<1x32x100xf32, #tpu.memory_space<vmem>>
      %gather3A_663 = tpu.memref_squeeze %gather3A_662 : memref<1x32x100xf32, #tpu.memory_space<vmem>> -> memref<32x100xf32, #tpu.memory_space<vmem>>
      %gather3A_664 = tpu.vector_load_idx %gather3A_663[%add3A_323, %broadcast_in_dim3A_631] : memref<32x100xf32, #tpu.memory_space<vmem>>[vector<16xi32>, vector<16xi32>], vector<16xf32>,
      %swap3A_665 = arith.index_cast %add3A_626 : i32 to index
      %swap3A_666 = arith.constant 0 : index
      %swap3A_667 = tpu.vector_load %arg11[%swap3A_665, %swap3A_666] {strides = array<i32>} : memref<512x32xf32, #tpu.memory_space<vmem>>, vector<16xf32>,
      tpu.vector_store %arg11[%swap3A_665, %swap3A_666], %gather3A_658 {strides = array<i32>} : memref<512x32xf32, #tpu.memory_space<vmem>>, vector<16xf32>,
      %swap3A_668 = arith.index_cast %add3A_626 : i32 to index
      %swap3A_669 = arith.constant 16 : index
      %swap3A_670 = tpu.vector_load %arg11[%swap3A_668, %swap3A_669] {strides = array<i32>} : memref<512x32xf32, #tpu.memory_space<vmem>>, vector<16xf32>,
      tpu.vector_store %arg11[%swap3A_668, %swap3A_669], %gather3A_664 {strides = array<i32>} : memref<512x32xf32, #tpu.memory_space<vmem>>, vector<16xf32>,
      %add3A_671 = arith.constant 8 : i32
      %add3A_672 = arith.addi %add3A_626, %add3A_671 : i32
      %lt3A_673 = arith.constant 512 : i32
      %lt3A_674 = arith.cmpi slt, %add3A_672, %lt3A_673 : i32
      %convert_element_type3A_675 = arith.extui %lt3A_674 : i1 to i32
      %cond3A_676 = arith.constant 0 : i32
      %cond3A_677 = arith.cmpi ne, %convert_element_type3A_675, %cond3A_676 : i32
      scf.if %cond3A_677 {
        %add3A_953 = arith.constant 8 : i32
        %add3A_954 = arith.addi %add3A_626, %add3A_953 : i32
        %get3A_955 = arith.index_cast %add3A_954 : i32 to index
        %get3A_956 = tpu.vector_load %arg7[%get3A_955] {strides = array<i32>} : memref<528xi32, #tpu.memory_space<vmem>>, vector<16xi32>,
        %slice3A_957 = vector.extract_strided_slice %get3A_956 {offsets = [0], sizes = [1], strides = [1]} : vector<16xi32> to vector<1xi32>
        %squeeze3A_958 = vector.extract %slice3A_957[0] : i32 from vector<1xi32>
        %dma_start3A_959 = arith.constant 2 : i32
        %dma_start3A_960 = arith.constant 2 : i32
        %dma_start3A_961 = arith.constant 0 : i32
        %dma_start3A_962 = arith.constant 0 : i32
        %dma_start3A_963 = tpu.memref_slice %arg10[%dma_start3A_959, %dma_start3A_961, %dma_start3A_962] : memref<8x32x100xf32, #tpu.memory_space<vmem>> -> memref<1x32x100xf32, #tpu.memory_space<vmem>>
        %dma_start3A_964 = tpu.memref_squeeze %dma_start3A_963 : memref<1x32x100xf32, #tpu.memory_space<vmem>> -> memref<32x100xf32, #tpu.memory_space<vmem>>
        %dma_start3A_965 = arith.constant 0 : i32
        %dma_start3A_966 = arith.constant 0 : i32
        %dma_start3A_967 = tpu.memref_slice %arg5[%squeeze3A_958, %dma_start3A_965, %dma_start3A_966] : memref<10000x32x100xf32, #tpu.memory_space<hbm>> -> memref<1x32x100xf32, #tpu.memory_space<hbm>>
        %dma_start3A_968 = tpu.memref_squeeze %dma_start3A_967 : memref<1x32x100xf32, #tpu.memory_space<hbm>> -> memref<32x100xf32, #tpu.memory_space<hbm>>
        %dma_start3A_969 = tpu.memref_slice %arg12[%dma_start3A_960] : memref<8x!tpu.dma_semaphore, #tpu.memory_space<semaphore_mem>> -> memref<1x!tpu.dma_semaphore, #tpu.memory_space<semaphore_mem>>
        %dma_start3A_970 = tpu.memref_squeeze %dma_start3A_969 : memref<1x!tpu.dma_semaphore, #tpu.memory_space<semaphore_mem>> -> memref<!tpu.dma_semaphore, #tpu.memory_space<semaphore_mem>>
        %dma_start3A_971 = arith.constant 0 : i32
        %dma_start3A_972 = arith.constant 0 : i32
        %dma_start3A_973 = tpu.memref_slice %arg10[%dma_start3A_959, %dma_start3A_971, %dma_start3A_972] : memref<8x32x100xf32, #tpu.memory_space<vmem>> -> memref<1x32x100xf32, #tpu.memory_space<vmem>>
        %dma_start3A_974 = tpu.memref_squeeze %dma_start3A_973 : memref<1x32x100xf32, #tpu.memory_space<vmem>> -> memref<32x100xf32, #tpu.memory_space<vmem>>
        %dma_start3A_975 = arith.constant 0 : i32
        %dma_start3A_976 = arith.constant 0 : i32
        %dma_start3A_977 = tpu.memref_slice %arg5[%squeeze3A_958, %dma_start3A_975, %dma_start3A_976] : memref<10000x32x100xf32, #tpu.memory_space<hbm>> -> memref<1x32x100xf32, #tpu.memory_space<hbm>>
        %dma_start3A_978 = tpu.memref_squeeze %dma_start3A_977 : memref<1x32x100xf32, #tpu.memory_space<hbm>> -> memref<32x100xf32, #tpu.memory_space<hbm>>
        tpu.enqueue_dma source(%dma_start3A_978 : memref<32x100xf32, #tpu.memory_space<hbm>>) target(%dma_start3A_974 : memref<32x100xf32, #tpu.memory_space<vmem>>) target_semaphore(%dma_start3A_970 : memref<!tpu.dma_semaphore, #tpu.memory_space<semaphore_mem>>)
      } else {
      }
      %mul3A_678 = arith.constant 8 : i32
      %mul3A_679 = arith.muli %scan3A_518, %mul3A_678 : i32
      %add3A_680 = arith.constant 3 : i32
      %add3A_681 = arith.addi %mul3A_679, %add3A_680 : i32
      %get3A_682 = arith.index_cast %add3A_681 : i32 to index
      %get3A_683 = tpu.vector_load %arg9[%get3A_682] {strides = array<i32>} : memref<528xi32, #tpu.memory_space<vmem>>, vector<16xi32>,
      %slice3A_684 = vector.extract_strided_slice %get3A_683 {offsets = [0], sizes = [1], strides = [1]} : vector<16xi32> to vector<1xi32>
      %squeeze3A_685 = vector.extract %slice3A_684[0] : i32 from vector<1xi32>
      %broadcast_in_dim3A_686 = vector.broadcast %squeeze3A_685 : i32 to vector<16xi32>
      %dma_wait3A_687 = arith.constant 0 : i32
      %dma_wait3A_688 = arith.constant 3 : i32
      %dma_wait3A_689 = arith.constant 3 : i32
      %dma_wait3A_690 = arith.constant 0 : i32
      %dma_wait3A_691 = arith.constant 0 : i32
      %dma_wait3A_692 = tpu.memref_slice %arg10[%dma_wait3A_688, %dma_wait3A_690, %dma_wait3A_691] : memref<8x32x100xf32, #tpu.memory_space<vmem>> -> memref<1x32x100xf32, #tpu.memory_space<vmem>>
      %dma_wait3A_693 = tpu.memref_squeeze %dma_wait3A_692 : memref<1x32x100xf32, #tpu.memory_space<vmem>> -> memref<32x100xf32, #tpu.memory_space<vmem>>
      %dma_wait3A_694 = arith.constant 0 : i32
      %dma_wait3A_695 = arith.constant 0 : i32
      %dma_wait3A_696 = tpu.memref_slice %arg5[%dma_wait3A_687, %dma_wait3A_694, %dma_wait3A_695] : memref<10000x32x100xf32, #tpu.memory_space<hbm>> -> memref<1x32x100xf32, #tpu.memory_space<hbm>>
      %dma_wait3A_697 = tpu.memref_squeeze %dma_wait3A_696 : memref<1x32x100xf32, #tpu.memory_space<hbm>> -> memref<32x100xf32, #tpu.memory_space<hbm>>
      %dma_wait3A_698 = tpu.memref_slice %arg12[%dma_wait3A_689] : memref<8x!tpu.dma_semaphore, #tpu.memory_space<semaphore_mem>> -> memref<1x!tpu.dma_semaphore, #tpu.memory_space<semaphore_mem>>
      %dma_wait3A_699 = tpu.memref_squeeze %dma_wait3A_698 : memref<1x!tpu.dma_semaphore, #tpu.memory_space<semaphore_mem>> -> memref<!tpu.dma_semaphore, #tpu.memory_space<semaphore_mem>>
      %dma_wait3A_700 = arith.constant 0 : i32
      %dma_wait3A_701 = arith.constant 0 : i32
      %dma_wait3A_702 = tpu.memref_slice %arg10[%dma_wait3A_688, %dma_wait3A_700, %dma_wait3A_701] : memref<8x32x100xf32, #tpu.memory_space<vmem>> -> memref<1x32x100xf32, #tpu.memory_space<vmem>>
      %dma_wait3A_703 = tpu.memref_squeeze %dma_wait3A_702 : memref<1x32x100xf32, #tpu.memory_space<vmem>> -> memref<32x100xf32, #tpu.memory_space<vmem>>
      %dma_wait3A_704 = arith.constant 0 : i32
      %dma_wait3A_705 = arith.constant 0 : i32
      %dma_wait3A_706 = tpu.memref_slice %arg5[%dma_wait3A_687, %dma_wait3A_704, %dma_wait3A_705] : memref<10000x32x100xf32, #tpu.memory_space<hbm>> -> memref<1x32x100xf32, #tpu.memory_space<hbm>>
      %dma_wait3A_707 = tpu.memref_squeeze %dma_wait3A_706 : memref<1x32x100xf32, #tpu.memory_space<hbm>> -> memref<32x100xf32, #tpu.memory_space<hbm>>
      tpu.wait_dma2 semaphore(%dma_wait3A_699 : memref<!tpu.dma_semaphore, #tpu.memory_space<semaphore_mem>>) src(%dma_wait3A_707 : memref<32x100xf32, #tpu.memory_space<hbm>>) dst(%dma_wait3A_703 : memref<32x100xf32, #tpu.memory_space<vmem>>)
      %gather3A_708 = arith.constant 3 : i32
      %gather3A_709 = arith.constant 0 : i32
      %gather3A_710 = arith.constant 0 : i32
      %gather3A_711 = tpu.memref_slice %arg10[%gather3A_708, %gather3A_709, %gather3A_710] : memref<8x32x100xf32, #tpu.memory_space<vmem>> -> memref<1x32x100xf32, #tpu.memory_space<vmem>>
      %gather3A_712 = tpu.memref_squeeze %gather3A_711 : memref<1x32x100xf32, #tpu.memory_space<vmem>> -> memref<32x100xf32, #tpu.memory_space<vmem>>
      %gather3A_713 = tpu.vector_load_idx %gather3A_712[%iota3A, %broadcast_in_dim3A_686] : memref<32x100xf32, #tpu.memory_space<vmem>>[vector<16xi32>, vector<16xi32>], vector<16xf32>,
      %gather3A_714 = arith.constant 3 : i32
      %gather3A_715 = arith.constant 0 : i32
      %gather3A_716 = arith.constant 0 : i32
      %gather3A_717 = tpu.memref_slice %arg10[%gather3A_714, %gather3A_715, %gather3A_716] : memref<8x32x100xf32, #tpu.memory_space<vmem>> -> memref<1x32x100xf32, #tpu.memory_space<vmem>>
      %gather3A_718 = tpu.memref_squeeze %gather3A_717 : memref<1x32x100xf32, #tpu.memory_space<vmem>> -> memref<32x100xf32, #tpu.memory_space<vmem>>
      %gather3A_719 = tpu.vector_load_idx %gather3A_718[%add3A_323, %broadcast_in_dim3A_686] : memref<32x100xf32, #tpu.memory_space<vmem>>[vector<16xi32>, vector<16xi32>], vector<16xf32>,
      %swap3A_720 = arith.index_cast %add3A_681 : i32 to index
      %swap3A_721 = arith.constant 0 : index
      %swap3A_722 = tpu.vector_load %arg11[%swap3A_720, %swap3A_721] {strides = array<i32>} : memref<512x32xf32, #tpu.memory_space<vmem>>, vector<16xf32>,
      tpu.vector_store %arg11[%swap3A_720, %swap3A_721], %gather3A_713 {strides = array<i32>} : memref<512x32xf32, #tpu.memory_space<vmem>>, vector<16xf32>,
      %swap3A_723 = arith.index_cast %add3A_681 : i32 to index
      %swap3A_724 = arith.constant 16 : index
      %swap3A_725 = tpu.vector_load %arg11[%swap3A_723, %swap3A_724] {strides = array<i32>} : memref<512x32xf32, #tpu.memory_space<vmem>>, vector<16xf32>,
      tpu.vector_store %arg11[%swap3A_723, %swap3A_724], %gather3A_719 {strides = array<i32>} : memref<512x32xf32, #tpu.memory_space<vmem>>, vector<16xf32>,
      %add3A_726 = arith.constant 8 : i32
      %add3A_727 = arith.addi %add3A_681, %add3A_726 : i32
      %lt3A_728 = arith.constant 512 : i32
      %lt3A_729 = arith.cmpi slt, %add3A_727, %lt3A_728 : i32
      %convert_element_type3A_730 = arith.extui %lt3A_729 : i1 to i32
      %cond3A_731 = arith.constant 0 : i32
      %cond3A_732 = arith.cmpi ne, %convert_element_type3A_730, %cond3A_731 : i32
      scf.if %cond3A_732 {
        %add3A_953 = arith.constant 8 : i32
        %add3A_954 = arith.addi %add3A_681, %add3A_953 : i32
        %get3A_955 = arith.index_cast %add3A_954 : i32 to index
        %get3A_956 = tpu.vector_load %arg7[%get3A_955] {strides = array<i32>} : memref<528xi32, #tpu.memory_space<vmem>>, vector<16xi32>,
        %slice3A_957 = vector.extract_strided_slice %get3A_956 {offsets = [0], sizes = [1], strides = [1]} : vector<16xi32> to vector<1xi32>
        %squeeze3A_958 = vector.extract %slice3A_957[0] : i32 from vector<1xi32>
        %dma_start3A_959 = arith.constant 3 : i32
        %dma_start3A_960 = arith.constant 3 : i32
        %dma_start3A_961 = arith.constant 0 : i32
        %dma_start3A_962 = arith.constant 0 : i32
        %dma_start3A_963 = tpu.memref_slice %arg10[%dma_start3A_959, %dma_start3A_961, %dma_start3A_962] : memref<8x32x100xf32, #tpu.memory_space<vmem>> -> memref<1x32x100xf32, #tpu.memory_space<vmem>>
        %dma_start3A_964 = tpu.memref_squeeze %dma_start3A_963 : memref<1x32x100xf32, #tpu.memory_space<vmem>> -> memref<32x100xf32, #tpu.memory_space<vmem>>
        %dma_start3A_965 = arith.constant 0 : i32
        %dma_start3A_966 = arith.constant 0 : i32
        %dma_start3A_967 = tpu.memref_slice %arg5[%squeeze3A_958, %dma_start3A_965, %dma_start3A_966] : memref<10000x32x100xf32, #tpu.memory_space<hbm>> -> memref<1x32x100xf32, #tpu.memory_space<hbm>>
        %dma_start3A_968 = tpu.memref_squeeze %dma_start3A_967 : memref<1x32x100xf32, #tpu.memory_space<hbm>> -> memref<32x100xf32, #tpu.memory_space<hbm>>
        %dma_start3A_969 = tpu.memref_slice %arg12[%dma_start3A_960] : memref<8x!tpu.dma_semaphore, #tpu.memory_space<semaphore_mem>> -> memref<1x!tpu.dma_semaphore, #tpu.memory_space<semaphore_mem>>
        %dma_start3A_970 = tpu.memref_squeeze %dma_start3A_969 : memref<1x!tpu.dma_semaphore, #tpu.memory_space<semaphore_mem>> -> memref<!tpu.dma_semaphore, #tpu.memory_space<semaphore_mem>>
        %dma_start3A_971 = arith.constant 0 : i32
        %dma_start3A_972 = arith.constant 0 : i32
        %dma_start3A_973 = tpu.memref_slice %arg10[%dma_start3A_959, %dma_start3A_971, %dma_start3A_972] : memref<8x32x100xf32, #tpu.memory_space<vmem>> -> memref<1x32x100xf32, #tpu.memory_space<vmem>>
        %dma_start3A_974 = tpu.memref_squeeze %dma_start3A_973 : memref<1x32x100xf32, #tpu.memory_space<vmem>> -> memref<32x100xf32, #tpu.memory_space<vmem>>
        %dma_start3A_975 = arith.constant 0 : i32
        %dma_start3A_976 = arith.constant 0 : i32
        %dma_start3A_977 = tpu.memref_slice %arg5[%squeeze3A_958, %dma_start3A_975, %dma_start3A_976] : memref<10000x32x100xf32, #tpu.memory_space<hbm>> -> memref<1x32x100xf32, #tpu.memory_space<hbm>>
        %dma_start3A_978 = tpu.memref_squeeze %dma_start3A_977 : memref<1x32x100xf32, #tpu.memory_space<hbm>> -> memref<32x100xf32, #tpu.memory_space<hbm>>
        tpu.enqueue_dma source(%dma_start3A_978 : memref<32x100xf32, #tpu.memory_space<hbm>>) target(%dma_start3A_974 : memref<32x100xf32, #tpu.memory_space<vmem>>) target_semaphore(%dma_start3A_970 : memref<!tpu.dma_semaphore, #tpu.memory_space<semaphore_mem>>)
      } else {
      }
      %mul3A_733 = arith.constant 8 : i32
      %mul3A_734 = arith.muli %scan3A_518, %mul3A_733 : i32
      %add3A_735 = arith.constant 4 : i32
      %add3A_736 = arith.addi %mul3A_734, %add3A_735 : i32
      %get3A_737 = arith.index_cast %add3A_736 : i32 to index
      %get3A_738 = tpu.vector_load %arg9[%get3A_737] {strides = array<i32>} : memref<528xi32, #tpu.memory_space<vmem>>, vector<16xi32>,
      %slice3A_739 = vector.extract_strided_slice %get3A_738 {offsets = [0], sizes = [1], strides = [1]} : vector<16xi32> to vector<1xi32>
      %squeeze3A_740 = vector.extract %slice3A_739[0] : i32 from vector<1xi32>
      %broadcast_in_dim3A_741 = vector.broadcast %squeeze3A_740 : i32 to vector<16xi32>
      %dma_wait3A_742 = arith.constant 0 : i32
      %dma_wait3A_743 = arith.constant 4 : i32
      %dma_wait3A_744 = arith.constant 4 : i32
      %dma_wait3A_745 = arith.constant 0 : i32
      %dma_wait3A_746 = arith.constant 0 : i32
      %dma_wait3A_747 = tpu.memref_slice %arg10[%dma_wait3A_743, %dma_wait3A_745, %dma_wait3A_746] : memref<8x32x100xf32, #tpu.memory_space<vmem>> -> memref<1x32x100xf32, #tpu.memory_space<vmem>>
      %dma_wait3A_748 = tpu.memref_squeeze %dma_wait3A_747 : memref<1x32x100xf32, #tpu.memory_space<vmem>> -> memref<32x100xf32, #tpu.memory_space<vmem>>
      %dma_wait3A_749 = arith.constant 0 : i32
      %dma_wait3A_750 = arith.constant 0 : i32
      %dma_wait3A_751 = tpu.memref_slice %arg5[%dma_wait3A_742, %dma_wait3A_749, %dma_wait3A_750] : memref<10000x32x100xf32, #tpu.memory_space<hbm>> -> memref<1x32x100xf32, #tpu.memory_space<hbm>>
      %dma_wait3A_752 = tpu.memref_squeeze %dma_wait3A_751 : memref<1x32x100xf32, #tpu.memory_space<hbm>> -> memref<32x100xf32, #tpu.memory_space<hbm>>
      %dma_wait3A_753 = tpu.memref_slice %arg12[%dma_wait3A_744] : memref<8x!tpu.dma_semaphore, #tpu.memory_space<semaphore_mem>> -> memref<1x!tpu.dma_semaphore, #tpu.memory_space<semaphore_mem>>
      %dma_wait3A_754 = tpu.memref_squeeze %dma_wait3A_753 : memref<1x!tpu.dma_semaphore, #tpu.memory_space<semaphore_mem>> -> memref<!tpu.dma_semaphore, #tpu.memory_space<semaphore_mem>>
      %dma_wait3A_755 = arith.constant 0 : i32
      %dma_wait3A_756 = arith.constant 0 : i32
      %dma_wait3A_757 = tpu.memref_slice %arg10[%dma_wait3A_743, %dma_wait3A_755, %dma_wait3A_756] : memref<8x32x100xf32, #tpu.memory_space<vmem>> -> memref<1x32x100xf32, #tpu.memory_space<vmem>>
      %dma_wait3A_758 = tpu.memref_squeeze %dma_wait3A_757 : memref<1x32x100xf32, #tpu.memory_space<vmem>> -> memref<32x100xf32, #tpu.memory_space<vmem>>
      %dma_wait3A_759 = arith.constant 0 : i32
      %dma_wait3A_760 = arith.constant 0 : i32
      %dma_wait3A_761 = tpu.memref_slice %arg5[%dma_wait3A_742, %dma_wait3A_759, %dma_wait3A_760] : memref<10000x32x100xf32, #tpu.memory_space<hbm>> -> memref<1x32x100xf32, #tpu.memory_space<hbm>>
      %dma_wait3A_762 = tpu.memref_squeeze %dma_wait3A_761 : memref<1x32x100xf32, #tpu.memory_space<hbm>> -> memref<32x100xf32, #tpu.memory_space<hbm>>
      tpu.wait_dma2 semaphore(%dma_wait3A_754 : memref<!tpu.dma_semaphore, #tpu.memory_space<semaphore_mem>>) src(%dma_wait3A_762 : memref<32x100xf32, #tpu.memory_space<hbm>>) dst(%dma_wait3A_758 : memref<32x100xf32, #tpu.memory_space<vmem>>)
      %gather3A_763 = arith.constant 4 : i32
      %gather3A_764 = arith.constant 0 : i32
      %gather3A_765 = arith.constant 0 : i32
      %gather3A_766 = tpu.memref_slice %arg10[%gather3A_763, %gather3A_764, %gather3A_765] : memref<8x32x100xf32, #tpu.memory_space<vmem>> -> memref<1x32x100xf32, #tpu.memory_space<vmem>>
      %gather3A_767 = tpu.memref_squeeze %gather3A_766 : memref<1x32x100xf32, #tpu.memory_space<vmem>> -> memref<32x100xf32, #tpu.memory_space<vmem>>
      %gather3A_768 = tpu.vector_load_idx %gather3A_767[%iota3A, %broadcast_in_dim3A_741] : memref<32x100xf32, #tpu.memory_space<vmem>>[vector<16xi32>, vector<16xi32>], vector<16xf32>,
      %gather3A_769 = arith.constant 4 : i32
      %gather3A_770 = arith.constant 0 : i32
      %gather3A_771 = arith.constant 0 : i32
      %gather3A_772 = tpu.memref_slice %arg10[%gather3A_769, %gather3A_770, %gather3A_771] : memref<8x32x100xf32, #tpu.memory_space<vmem>> -> memref<1x32x100xf32, #tpu.memory_space<vmem>>
      %gather3A_773 = tpu.memref_squeeze %gather3A_772 : memref<1x32x100xf32, #tpu.memory_space<vmem>> -> memref<32x100xf32, #tpu.memory_space<vmem>>
      %gather3A_774 = tpu.vector_load_idx %gather3A_773[%add3A_323, %broadcast_in_dim3A_741] : memref<32x100xf32, #tpu.memory_space<vmem>>[vector<16xi32>, vector<16xi32>], vector<16xf32>,
      %swap3A_775 = arith.index_cast %add3A_736 : i32 to index
      %swap3A_776 = arith.constant 0 : index
      %swap3A_777 = tpu.vector_load %arg11[%swap3A_775, %swap3A_776] {strides = array<i32>} : memref<512x32xf32, #tpu.memory_space<vmem>>, vector<16xf32>,
      tpu.vector_store %arg11[%swap3A_775, %swap3A_776], %gather3A_768 {strides = array<i32>} : memref<512x32xf32, #tpu.memory_space<vmem>>, vector<16xf32>,
      %swap3A_778 = arith.index_cast %add3A_736 : i32 to index
      %swap3A_779 = arith.constant 16 : index
      %swap3A_780 = tpu.vector_load %arg11[%swap3A_778, %swap3A_779] {strides = array<i32>} : memref<512x32xf32, #tpu.memory_space<vmem>>, vector<16xf32>,
      tpu.vector_store %arg11[%swap3A_778, %swap3A_779], %gather3A_774 {strides = array<i32>} : memref<512x32xf32, #tpu.memory_space<vmem>>, vector<16xf32>,
      %add3A_781 = arith.constant 8 : i32
      %add3A_782 = arith.addi %add3A_736, %add3A_781 : i32
      %lt3A_783 = arith.constant 512 : i32
      %lt3A_784 = arith.cmpi slt, %add3A_782, %lt3A_783 : i32
      %convert_element_type3A_785 = arith.extui %lt3A_784 : i1 to i32
      %cond3A_786 = arith.constant 0 : i32
      %cond3A_787 = arith.cmpi ne, %convert_element_type3A_785, %cond3A_786 : i32
      scf.if %cond3A_787 {
        %add3A_953 = arith.constant 8 : i32
        %add3A_954 = arith.addi %add3A_736, %add3A_953 : i32
        %get3A_955 = arith.index_cast %add3A_954 : i32 to index
        %get3A_956 = tpu.vector_load %arg7[%get3A_955] {strides = array<i32>} : memref<528xi32, #tpu.memory_space<vmem>>, vector<16xi32>,
        %slice3A_957 = vector.extract_strided_slice %get3A_956 {offsets = [0], sizes = [1], strides = [1]} : vector<16xi32> to vector<1xi32>
        %squeeze3A_958 = vector.extract %slice3A_957[0] : i32 from vector<1xi32>
        %dma_start3A_959 = arith.constant 4 : i32
        %dma_start3A_960 = arith.constant 4 : i32
        %dma_start3A_961 = arith.constant 0 : i32
        %dma_start3A_962 = arith.constant 0 : i32
        %dma_start3A_963 = tpu.memref_slice %arg10[%dma_start3A_959, %dma_start3A_961, %dma_start3A_962] : memref<8x32x100xf32, #tpu.memory_space<vmem>> -> memref<1x32x100xf32, #tpu.memory_space<vmem>>
        %dma_start3A_964 = tpu.memref_squeeze %dma_start3A_963 : memref<1x32x100xf32, #tpu.memory_space<vmem>> -> memref<32x100xf32, #tpu.memory_space<vmem>>
        %dma_start3A_965 = arith.constant 0 : i32
        %dma_start3A_966 = arith.constant 0 : i32
        %dma_start3A_967 = tpu.memref_slice %arg5[%squeeze3A_958, %dma_start3A_965, %dma_start3A_966] : memref<10000x32x100xf32, #tpu.memory_space<hbm>> -> memref<1x32x100xf32, #tpu.memory_space<hbm>>
        %dma_start3A_968 = tpu.memref_squeeze %dma_start3A_967 : memref<1x32x100xf32, #tpu.memory_space<hbm>> -> memref<32x100xf32, #tpu.memory_space<hbm>>
        %dma_start3A_969 = tpu.memref_slice %arg12[%dma_start3A_960] : memref<8x!tpu.dma_semaphore, #tpu.memory_space<semaphore_mem>> -> memref<1x!tpu.dma_semaphore, #tpu.memory_space<semaphore_mem>>
        %dma_start3A_970 = tpu.memref_squeeze %dma_start3A_969 : memref<1x!tpu.dma_semaphore, #tpu.memory_space<semaphore_mem>> -> memref<!tpu.dma_semaphore, #tpu.memory_space<semaphore_mem>>
        %dma_start3A_971 = arith.constant 0 : i32
        %dma_start3A_972 = arith.constant 0 : i32
        %dma_start3A_973 = tpu.memref_slice %arg10[%dma_start3A_959, %dma_start3A_971, %dma_start3A_972] : memref<8x32x100xf32, #tpu.memory_space<vmem>> -> memref<1x32x100xf32, #tpu.memory_space<vmem>>
        %dma_start3A_974 = tpu.memref_squeeze %dma_start3A_973 : memref<1x32x100xf32, #tpu.memory_space<vmem>> -> memref<32x100xf32, #tpu.memory_space<vmem>>
        %dma_start3A_975 = arith.constant 0 : i32
        %dma_start3A_976 = arith.constant 0 : i32
        %dma_start3A_977 = tpu.memref_slice %arg5[%squeeze3A_958, %dma_start3A_975, %dma_start3A_976] : memref<10000x32x100xf32, #tpu.memory_space<hbm>> -> memref<1x32x100xf32, #tpu.memory_space<hbm>>
        %dma_start3A_978 = tpu.memref_squeeze %dma_start3A_977 : memref<1x32x100xf32, #tpu.memory_space<hbm>> -> memref<32x100xf32, #tpu.memory_space<hbm>>
        tpu.enqueue_dma source(%dma_start3A_978 : memref<32x100xf32, #tpu.memory_space<hbm>>) target(%dma_start3A_974 : memref<32x100xf32, #tpu.memory_space<vmem>>) target_semaphore(%dma_start3A_970 : memref<!tpu.dma_semaphore, #tpu.memory_space<semaphore_mem>>)
      } else {
      }
      %mul3A_788 = arith.constant 8 : i32
      %mul3A_789 = arith.muli %scan3A_518, %mul3A_788 : i32
      %add3A_790 = arith.constant 5 : i32
      %add3A_791 = arith.addi %mul3A_789, %add3A_790 : i32
      %get3A_792 = arith.index_cast %add3A_791 : i32 to index
      %get3A_793 = tpu.vector_load %arg9[%get3A_792] {strides = array<i32>} : memref<528xi32, #tpu.memory_space<vmem>>, vector<16xi32>,
      %slice3A_794 = vector.extract_strided_slice %get3A_793 {offsets = [0], sizes = [1], strides = [1]} : vector<16xi32> to vector<1xi32>
      %squeeze3A_795 = vector.extract %slice3A_794[0] : i32 from vector<1xi32>
      %broadcast_in_dim3A_796 = vector.broadcast %squeeze3A_795 : i32 to vector<16xi32>
      %dma_wait3A_797 = arith.constant 0 : i32
      %dma_wait3A_798 = arith.constant 5 : i32
      %dma_wait3A_799 = arith.constant 5 : i32
      %dma_wait3A_800 = arith.constant 0 : i32
      %dma_wait3A_801 = arith.constant 0 : i32
      %dma_wait3A_802 = tpu.memref_slice %arg10[%dma_wait3A_798, %dma_wait3A_800, %dma_wait3A_801] : memref<8x32x100xf32, #tpu.memory_space<vmem>> -> memref<1x32x100xf32, #tpu.memory_space<vmem>>
      %dma_wait3A_803 = tpu.memref_squeeze %dma_wait3A_802 : memref<1x32x100xf32, #tpu.memory_space<vmem>> -> memref<32x100xf32, #tpu.memory_space<vmem>>
      %dma_wait3A_804 = arith.constant 0 : i32
      %dma_wait3A_805 = arith.constant 0 : i32
      %dma_wait3A_806 = tpu.memref_slice %arg5[%dma_wait3A_797, %dma_wait3A_804, %dma_wait3A_805] : memref<10000x32x100xf32, #tpu.memory_space<hbm>> -> memref<1x32x100xf32, #tpu.memory_space<hbm>>
      %dma_wait3A_807 = tpu.memref_squeeze %dma_wait3A_806 : memref<1x32x100xf32, #tpu.memory_space<hbm>> -> memref<32x100xf32, #tpu.memory_space<hbm>>
      %dma_wait3A_808 = tpu.memref_slice %arg12[%dma_wait3A_799] : memref<8x!tpu.dma_semaphore, #tpu.memory_space<semaphore_mem>> -> memref<1x!tpu.dma_semaphore, #tpu.memory_space<semaphore_mem>>
      %dma_wait3A_809 = tpu.memref_squeeze %dma_wait3A_808 : memref<1x!tpu.dma_semaphore, #tpu.memory_space<semaphore_mem>> -> memref<!tpu.dma_semaphore, #tpu.memory_space<semaphore_mem>>
      %dma_wait3A_810 = arith.constant 0 : i32
      %dma_wait3A_811 = arith.constant 0 : i32
      %dma_wait3A_812 = tpu.memref_slice %arg10[%dma_wait3A_798, %dma_wait3A_810, %dma_wait3A_811] : memref<8x32x100xf32, #tpu.memory_space<vmem>> -> memref<1x32x100xf32, #tpu.memory_space<vmem>>
      %dma_wait3A_813 = tpu.memref_squeeze %dma_wait3A_812 : memref<1x32x100xf32, #tpu.memory_space<vmem>> -> memref<32x100xf32, #tpu.memory_space<vmem>>
      %dma_wait3A_814 = arith.constant 0 : i32
      %dma_wait3A_815 = arith.constant 0 : i32
      %dma_wait3A_816 = tpu.memref_slice %arg5[%dma_wait3A_797, %dma_wait3A_814, %dma_wait3A_815] : memref<10000x32x100xf32, #tpu.memory_space<hbm>> -> memref<1x32x100xf32, #tpu.memory_space<hbm>>
      %dma_wait3A_817 = tpu.memref_squeeze %dma_wait3A_816 : memref<1x32x100xf32, #tpu.memory_space<hbm>> -> memref<32x100xf32, #tpu.memory_space<hbm>>
      tpu.wait_dma2 semaphore(%dma_wait3A_809 : memref<!tpu.dma_semaphore, #tpu.memory_space<semaphore_mem>>) src(%dma_wait3A_817 : memref<32x100xf32, #tpu.memory_space<hbm>>) dst(%dma_wait3A_813 : memref<32x100xf32, #tpu.memory_space<vmem>>)
      %gather3A_818 = arith.constant 5 : i32
      %gather3A_819 = arith.constant 0 : i32
      %gather3A_820 = arith.constant 0 : i32
      %gather3A_821 = tpu.memref_slice %arg10[%gather3A_818, %gather3A_819, %gather3A_820] : memref<8x32x100xf32, #tpu.memory_space<vmem>> -> memref<1x32x100xf32, #tpu.memory_space<vmem>>
      %gather3A_822 = tpu.memref_squeeze %gather3A_821 : memref<1x32x100xf32, #tpu.memory_space<vmem>> -> memref<32x100xf32, #tpu.memory_space<vmem>>
      %gather3A_823 = tpu.vector_load_idx %gather3A_822[%iota3A, %broadcast_in_dim3A_796] : memref<32x100xf32, #tpu.memory_space<vmem>>[vector<16xi32>, vector<16xi32>], vector<16xf32>,
      %gather3A_824 = arith.constant 5 : i32
      %gather3A_825 = arith.constant 0 : i32
      %gather3A_826 = arith.constant 0 : i32
      %gather3A_827 = tpu.memref_slice %arg10[%gather3A_824, %gather3A_825, %gather3A_826] : memref<8x32x100xf32, #tpu.memory_space<vmem>> -> memref<1x32x100xf32, #tpu.memory_space<vmem>>
      %gather3A_828 = tpu.memref_squeeze %gather3A_827 : memref<1x32x100xf32, #tpu.memory_space<vmem>> -> memref<32x100xf32, #tpu.memory_space<vmem>>
      %gather3A_829 = tpu.vector_load_idx %gather3A_828[%add3A_323, %broadcast_in_dim3A_796] : memref<32x100xf32, #tpu.memory_space<vmem>>[vector<16xi32>, vector<16xi32>], vector<16xf32>,
      %swap3A_830 = arith.index_cast %add3A_791 : i32 to index
      %swap3A_831 = arith.constant 0 : index
      %swap3A_832 = tpu.vector_load %arg11[%swap3A_830, %swap3A_831] {strides = array<i32>} : memref<512x32xf32, #tpu.memory_space<vmem>>, vector<16xf32>,
      tpu.vector_store %arg11[%swap3A_830, %swap3A_831], %gather3A_823 {strides = array<i32>} : memref<512x32xf32, #tpu.memory_space<vmem>>, vector<16xf32>,
      %swap3A_833 = arith.index_cast %add3A_791 : i32 to index
      %swap3A_834 = arith.constant 16 : index
      %swap3A_835 = tpu.vector_load %arg11[%swap3A_833, %swap3A_834] {strides = array<i32>} : memref<512x32xf32, #tpu.memory_space<vmem>>, vector<16xf32>,
      tpu.vector_store %arg11[%swap3A_833, %swap3A_834], %gather3A_829 {strides = array<i32>} : memref<512x32xf32, #tpu.memory_space<vmem>>, vector<16xf32>,
      %add3A_836 = arith.constant 8 : i32
      %add3A_837 = arith.addi %add3A_791, %add3A_836 : i32
      %lt3A_838 = arith.constant 512 : i32
      %lt3A_839 = arith.cmpi slt, %add3A_837, %lt3A_838 : i32
      %convert_element_type3A_840 = arith.extui %lt3A_839 : i1 to i32
      %cond3A_841 = arith.constant 0 : i32
      %cond3A_842 = arith.cmpi ne, %convert_element_type3A_840, %cond3A_841 : i32
      scf.if %cond3A_842 {
        %add3A_953 = arith.constant 8 : i32
        %add3A_954 = arith.addi %add3A_791, %add3A_953 : i32
        %get3A_955 = arith.index_cast %add3A_954 : i32 to index
        %get3A_956 = tpu.vector_load %arg7[%get3A_955] {strides = array<i32>} : memref<528xi32, #tpu.memory_space<vmem>>, vector<16xi32>,
        %slice3A_957 = vector.extract_strided_slice %get3A_956 {offsets = [0], sizes = [1], strides = [1]} : vector<16xi32> to vector<1xi32>
        %squeeze3A_958 = vector.extract %slice3A_957[0] : i32 from vector<1xi32>
        %dma_start3A_959 = arith.constant 5 : i32
        %dma_start3A_960 = arith.constant 5 : i32
        %dma_start3A_961 = arith.constant 0 : i32
        %dma_start3A_962 = arith.constant 0 : i32
        %dma_start3A_963 = tpu.memref_slice %arg10[%dma_start3A_959, %dma_start3A_961, %dma_start3A_962] : memref<8x32x100xf32, #tpu.memory_space<vmem>> -> memref<1x32x100xf32, #tpu.memory_space<vmem>>
        %dma_start3A_964 = tpu.memref_squeeze %dma_start3A_963 : memref<1x32x100xf32, #tpu.memory_space<vmem>> -> memref<32x100xf32, #tpu.memory_space<vmem>>
        %dma_start3A_965 = arith.constant 0 : i32
        %dma_start3A_966 = arith.constant 0 : i32
        %dma_start3A_967 = tpu.memref_slice %arg5[%squeeze3A_958, %dma_start3A_965, %dma_start3A_966] : memref<10000x32x100xf32, #tpu.memory_space<hbm>> -> memref<1x32x100xf32, #tpu.memory_space<hbm>>
        %dma_start3A_968 = tpu.memref_squeeze %dma_start3A_967 : memref<1x32x100xf32, #tpu.memory_space<hbm>> -> memref<32x100xf32, #tpu.memory_space<hbm>>
        %dma_start3A_969 = tpu.memref_slice %arg12[%dma_start3A_960] : memref<8x!tpu.dma_semaphore, #tpu.memory_space<semaphore_mem>> -> memref<1x!tpu.dma_semaphore, #tpu.memory_space<semaphore_mem>>
        %dma_start3A_970 = tpu.memref_squeeze %dma_start3A_969 : memref<1x!tpu.dma_semaphore, #tpu.memory_space<semaphore_mem>> -> memref<!tpu.dma_semaphore, #tpu.memory_space<semaphore_mem>>
        %dma_start3A_971 = arith.constant 0 : i32
        %dma_start3A_972 = arith.constant 0 : i32
        %dma_start3A_973 = tpu.memref_slice %arg10[%dma_start3A_959, %dma_start3A_971, %dma_start3A_972] : memref<8x32x100xf32, #tpu.memory_space<vmem>> -> memref<1x32x100xf32, #tpu.memory_space<vmem>>
        %dma_start3A_974 = tpu.memref_squeeze %dma_start3A_973 : memref<1x32x100xf32, #tpu.memory_space<vmem>> -> memref<32x100xf32, #tpu.memory_space<vmem>>
        %dma_start3A_975 = arith.constant 0 : i32
        %dma_start3A_976 = arith.constant 0 : i32
        %dma_start3A_977 = tpu.memref_slice %arg5[%squeeze3A_958, %dma_start3A_975, %dma_start3A_976] : memref<10000x32x100xf32, #tpu.memory_space<hbm>> -> memref<1x32x100xf32, #tpu.memory_space<hbm>>
        %dma_start3A_978 = tpu.memref_squeeze %dma_start3A_977 : memref<1x32x100xf32, #tpu.memory_space<hbm>> -> memref<32x100xf32, #tpu.memory_space<hbm>>
        tpu.enqueue_dma source(%dma_start3A_978 : memref<32x100xf32, #tpu.memory_space<hbm>>) target(%dma_start3A_974 : memref<32x100xf32, #tpu.memory_space<vmem>>) target_semaphore(%dma_start3A_970 : memref<!tpu.dma_semaphore, #tpu.memory_space<semaphore_mem>>)
      } else {
      }
      %mul3A_843 = arith.constant 8 : i32
      %mul3A_844 = arith.muli %scan3A_518, %mul3A_843 : i32
      %add3A_845 = arith.constant 6 : i32
      %add3A_846 = arith.addi %mul3A_844, %add3A_845 : i32
      %get3A_847 = arith.index_cast %add3A_846 : i32 to index
      %get3A_848 = tpu.vector_load %arg9[%get3A_847] {strides = array<i32>} : memref<528xi32, #tpu.memory_space<vmem>>, vector<16xi32>,
      %slice3A_849 = vector.extract_strided_slice %get3A_848 {offsets = [0], sizes = [1], strides = [1]} : vector<16xi32> to vector<1xi32>
      %squeeze3A_850 = vector.extract %slice3A_849[0] : i32 from vector<1xi32>
      %broadcast_in_dim3A_851 = vector.broadcast %squeeze3A_850 : i32 to vector<16xi32>
      %dma_wait3A_852 = arith.constant 0 : i32
      %dma_wait3A_853 = arith.constant 6 : i32
      %dma_wait3A_854 = arith.constant 6 : i32
      %dma_wait3A_855 = arith.constant 0 : i32
      %dma_wait3A_856 = arith.constant 0 : i32
      %dma_wait3A_857 = tpu.memref_slice %arg10[%dma_wait3A_853, %dma_wait3A_855, %dma_wait3A_856] : memref<8x32x100xf32, #tpu.memory_space<vmem>> -> memref<1x32x100xf32, #tpu.memory_space<vmem>>
      %dma_wait3A_858 = tpu.memref_squeeze %dma_wait3A_857 : memref<1x32x100xf32, #tpu.memory_space<vmem>> -> memref<32x100xf32, #tpu.memory_space<vmem>>
      %dma_wait3A_859 = arith.constant 0 : i32
      %dma_wait3A_860 = arith.constant 0 : i32
      %dma_wait3A_861 = tpu.memref_slice %arg5[%dma_wait3A_852, %dma_wait3A_859, %dma_wait3A_860] : memref<10000x32x100xf32, #tpu.memory_space<hbm>> -> memref<1x32x100xf32, #tpu.memory_space<hbm>>
      %dma_wait3A_862 = tpu.memref_squeeze %dma_wait3A_861 : memref<1x32x100xf32, #tpu.memory_space<hbm>> -> memref<32x100xf32, #tpu.memory_space<hbm>>
      %dma_wait3A_863 = tpu.memref_slice %arg12[%dma_wait3A_854] : memref<8x!tpu.dma_semaphore, #tpu.memory_space<semaphore_mem>> -> memref<1x!tpu.dma_semaphore, #tpu.memory_space<semaphore_mem>>
      %dma_wait3A_864 = tpu.memref_squeeze %dma_wait3A_863 : memref<1x!tpu.dma_semaphore, #tpu.memory_space<semaphore_mem>> -> memref<!tpu.dma_semaphore, #tpu.memory_space<semaphore_mem>>
      %dma_wait3A_865 = arith.constant 0 : i32
      %dma_wait3A_866 = arith.constant 0 : i32
      %dma_wait3A_867 = tpu.memref_slice %arg10[%dma_wait3A_853, %dma_wait3A_865, %dma_wait3A_866] : memref<8x32x100xf32, #tpu.memory_space<vmem>> -> memref<1x32x100xf32, #tpu.memory_space<vmem>>
      %dma_wait3A_868 = tpu.memref_squeeze %dma_wait3A_867 : memref<1x32x100xf32, #tpu.memory_space<vmem>> -> memref<32x100xf32, #tpu.memory_space<vmem>>
      %dma_wait3A_869 = arith.constant 0 : i32
      %dma_wait3A_870 = arith.constant 0 : i32
      %dma_wait3A_871 = tpu.memref_slice %arg5[%dma_wait3A_852, %dma_wait3A_869, %dma_wait3A_870] : memref<10000x32x100xf32, #tpu.memory_space<hbm>> -> memref<1x32x100xf32, #tpu.memory_space<hbm>>
      %dma_wait3A_872 = tpu.memref_squeeze %dma_wait3A_871 : memref<1x32x100xf32, #tpu.memory_space<hbm>> -> memref<32x100xf32, #tpu.memory_space<hbm>>
      tpu.wait_dma2 semaphore(%dma_wait3A_864 : memref<!tpu.dma_semaphore, #tpu.memory_space<semaphore_mem>>) src(%dma_wait3A_872 : memref<32x100xf32, #tpu.memory_space<hbm>>) dst(%dma_wait3A_868 : memref<32x100xf32, #tpu.memory_space<vmem>>)
      %gather3A_873 = arith.constant 6 : i32
      %gather3A_874 = arith.constant 0 : i32
      %gather3A_875 = arith.constant 0 : i32
      %gather3A_876 = tpu.memref_slice %arg10[%gather3A_873, %gather3A_874, %gather3A_875] : memref<8x32x100xf32, #tpu.memory_space<vmem>> -> memref<1x32x100xf32, #tpu.memory_space<vmem>>
      %gather3A_877 = tpu.memref_squeeze %gather3A_876 : memref<1x32x100xf32, #tpu.memory_space<vmem>> -> memref<32x100xf32, #tpu.memory_space<vmem>>
      %gather3A_878 = tpu.vector_load_idx %gather3A_877[%iota3A, %broadcast_in_dim3A_851] : memref<32x100xf32, #tpu.memory_space<vmem>>[vector<16xi32>, vector<16xi32>], vector<16xf32>,
      %gather3A_879 = arith.constant 6 : i32
      %gather3A_880 = arith.constant 0 : i32
      %gather3A_881 = arith.constant 0 : i32
      %gather3A_882 = tpu.memref_slice %arg10[%gather3A_879, %gather3A_880, %gather3A_881] : memref<8x32x100xf32, #tpu.memory_space<vmem>> -> memref<1x32x100xf32, #tpu.memory_space<vmem>>
      %gather3A_883 = tpu.memref_squeeze %gather3A_882 : memref<1x32x100xf32, #tpu.memory_space<vmem>> -> memref<32x100xf32, #tpu.memory_space<vmem>>
      %gather3A_884 = tpu.vector_load_idx %gather3A_883[%add3A_323, %broadcast_in_dim3A_851] : memref<32x100xf32, #tpu.memory_space<vmem>>[vector<16xi32>, vector<16xi32>], vector<16xf32>,
      %swap3A_885 = arith.index_cast %add3A_846 : i32 to index
      %swap3A_886 = arith.constant 0 : index
      %swap3A_887 = tpu.vector_load %arg11[%swap3A_885, %swap3A_886] {strides = array<i32>} : memref<512x32xf32, #tpu.memory_space<vmem>>, vector<16xf32>,
      tpu.vector_store %arg11[%swap3A_885, %swap3A_886], %gather3A_878 {strides = array<i32>} : memref<512x32xf32, #tpu.memory_space<vmem>>, vector<16xf32>,
      %swap3A_888 = arith.index_cast %add3A_846 : i32 to index
      %swap3A_889 = arith.constant 16 : index
      %swap3A_890 = tpu.vector_load %arg11[%swap3A_888, %swap3A_889] {strides = array<i32>} : memref<512x32xf32, #tpu.memory_space<vmem>>, vector<16xf32>,
      tpu.vector_store %arg11[%swap3A_888, %swap3A_889], %gather3A_884 {strides = array<i32>} : memref<512x32xf32, #tpu.memory_space<vmem>>, vector<16xf32>,
      %add3A_891 = arith.constant 8 : i32
      %add3A_892 = arith.addi %add3A_846, %add3A_891 : i32
      %lt3A_893 = arith.constant 512 : i32
      %lt3A_894 = arith.cmpi slt, %add3A_892, %lt3A_893 : i32
      %convert_element_type3A_895 = arith.extui %lt3A_894 : i1 to i32
      %cond3A_896 = arith.constant 0 : i32
      %cond3A_897 = arith.cmpi ne, %convert_element_type3A_895, %cond3A_896 : i32
      scf.if %cond3A_897 {
        %add3A_953 = arith.constant 8 : i32
        %add3A_954 = arith.addi %add3A_846, %add3A_953 : i32
        %get3A_955 = arith.index_cast %add3A_954 : i32 to index
        %get3A_956 = tpu.vector_load %arg7[%get3A_955] {strides = array<i32>} : memref<528xi32, #tpu.memory_space<vmem>>, vector<16xi32>,
        %slice3A_957 = vector.extract_strided_slice %get3A_956 {offsets = [0], sizes = [1], strides = [1]} : vector<16xi32> to vector<1xi32>
        %squeeze3A_958 = vector.extract %slice3A_957[0] : i32 from vector<1xi32>
        %dma_start3A_959 = arith.constant 6 : i32
        %dma_start3A_960 = arith.constant 6 : i32
        %dma_start3A_961 = arith.constant 0 : i32
        %dma_start3A_962 = arith.constant 0 : i32
        %dma_start3A_963 = tpu.memref_slice %arg10[%dma_start3A_959, %dma_start3A_961, %dma_start3A_962] : memref<8x32x100xf32, #tpu.memory_space<vmem>> -> memref<1x32x100xf32, #tpu.memory_space<vmem>>
        %dma_start3A_964 = tpu.memref_squeeze %dma_start3A_963 : memref<1x32x100xf32, #tpu.memory_space<vmem>> -> memref<32x100xf32, #tpu.memory_space<vmem>>
        %dma_start3A_965 = arith.constant 0 : i32
        %dma_start3A_966 = arith.constant 0 : i32
        %dma_start3A_967 = tpu.memref_slice %arg5[%squeeze3A_958, %dma_start3A_965, %dma_start3A_966] : memref<10000x32x100xf32, #tpu.memory_space<hbm>> -> memref<1x32x100xf32, #tpu.memory_space<hbm>>
        %dma_start3A_968 = tpu.memref_squeeze %dma_start3A_967 : memref<1x32x100xf32, #tpu.memory_space<hbm>> -> memref<32x100xf32, #tpu.memory_space<hbm>>
        %dma_start3A_969 = tpu.memref_slice %arg12[%dma_start3A_960] : memref<8x!tpu.dma_semaphore, #tpu.memory_space<semaphore_mem>> -> memref<1x!tpu.dma_semaphore, #tpu.memory_space<semaphore_mem>>
        %dma_start3A_970 = tpu.memref_squeeze %dma_start3A_969 : memref<1x!tpu.dma_semaphore, #tpu.memory_space<semaphore_mem>> -> memref<!tpu.dma_semaphore, #tpu.memory_space<semaphore_mem>>
        %dma_start3A_971 = arith.constant 0 : i32
        %dma_start3A_972 = arith.constant 0 : i32
        %dma_start3A_973 = tpu.memref_slice %arg10[%dma_start3A_959, %dma_start3A_971, %dma_start3A_972] : memref<8x32x100xf32, #tpu.memory_space<vmem>> -> memref<1x32x100xf32, #tpu.memory_space<vmem>>
        %dma_start3A_974 = tpu.memref_squeeze %dma_start3A_973 : memref<1x32x100xf32, #tpu.memory_space<vmem>> -> memref<32x100xf32, #tpu.memory_space<vmem>>
        %dma_start3A_975 = arith.constant 0 : i32
        %dma_start3A_976 = arith.constant 0 : i32
        %dma_start3A_977 = tpu.memref_slice %arg5[%squeeze3A_958, %dma_start3A_975, %dma_start3A_976] : memref<10000x32x100xf32, #tpu.memory_space<hbm>> -> memref<1x32x100xf32, #tpu.memory_space<hbm>>
        %dma_start3A_978 = tpu.memref_squeeze %dma_start3A_977 : memref<1x32x100xf32, #tpu.memory_space<hbm>> -> memref<32x100xf32, #tpu.memory_space<hbm>>
        tpu.enqueue_dma source(%dma_start3A_978 : memref<32x100xf32, #tpu.memory_space<hbm>>) target(%dma_start3A_974 : memref<32x100xf32, #tpu.memory_space<vmem>>) target_semaphore(%dma_start3A_970 : memref<!tpu.dma_semaphore, #tpu.memory_space<semaphore_mem>>)
      } else {
      }
      %mul3A_898 = arith.constant 8 : i32
      %mul3A_899 = arith.muli %scan3A_518, %mul3A_898 : i32
      %add3A_900 = arith.constant 7 : i32
      %add3A_901 = arith.addi %mul3A_899, %add3A_900 : i32
      %get3A_902 = arith.index_cast %add3A_901 : i32 to index
      %get3A_903 = tpu.vector_load %arg9[%get3A_902] {strides = array<i32>} : memref<528xi32, #tpu.memory_space<vmem>>, vector<16xi32>,
      %slice3A_904 = vector.extract_strided_slice %get3A_903 {offsets = [0], sizes = [1], strides = [1]} : vector<16xi32> to vector<1xi32>
      %squeeze3A_905 = vector.extract %slice3A_904[0] : i32 from vector<1xi32>
      %broadcast_in_dim3A_906 = vector.broadcast %squeeze3A_905 : i32 to vector<16xi32>
      %dma_wait3A_907 = arith.constant 0 : i32
      %dma_wait3A_908 = arith.constant 7 : i32
      %dma_wait3A_909 = arith.constant 7 : i32
      %dma_wait3A_910 = arith.constant 0 : i32
      %dma_wait3A_911 = arith.constant 0 : i32
      %dma_wait3A_912 = tpu.memref_slice %arg10[%dma_wait3A_908, %dma_wait3A_910, %dma_wait3A_911] : memref<8x32x100xf32, #tpu.memory_space<vmem>> -> memref<1x32x100xf32, #tpu.memory_space<vmem>>
      %dma_wait3A_913 = tpu.memref_squeeze %dma_wait3A_912 : memref<1x32x100xf32, #tpu.memory_space<vmem>> -> memref<32x100xf32, #tpu.memory_space<vmem>>
      %dma_wait3A_914 = arith.constant 0 : i32
      %dma_wait3A_915 = arith.constant 0 : i32
      %dma_wait3A_916 = tpu.memref_slice %arg5[%dma_wait3A_907, %dma_wait3A_914, %dma_wait3A_915] : memref<10000x32x100xf32, #tpu.memory_space<hbm>> -> memref<1x32x100xf32, #tpu.memory_space<hbm>>
      %dma_wait3A_917 = tpu.memref_squeeze %dma_wait3A_916 : memref<1x32x100xf32, #tpu.memory_space<hbm>> -> memref<32x100xf32, #tpu.memory_space<hbm>>
      %dma_wait3A_918 = tpu.memref_slice %arg12[%dma_wait3A_909] : memref<8x!tpu.dma_semaphore, #tpu.memory_space<semaphore_mem>> -> memref<1x!tpu.dma_semaphore, #tpu.memory_space<semaphore_mem>>
      %dma_wait3A_919 = tpu.memref_squeeze %dma_wait3A_918 : memref<1x!tpu.dma_semaphore, #tpu.memory_space<semaphore_mem>> -> memref<!tpu.dma_semaphore, #tpu.memory_space<semaphore_mem>>
      %dma_wait3A_920 = arith.constant 0 : i32
      %dma_wait3A_921 = arith.constant 0 : i32
      %dma_wait3A_922 = tpu.memref_slice %arg10[%dma_wait3A_908, %dma_wait3A_920, %dma_wait3A_921] : memref<8x32x100xf32, #tpu.memory_space<vmem>> -> memref<1x32x100xf32, #tpu.memory_space<vmem>>
      %dma_wait3A_923 = tpu.memref_squeeze %dma_wait3A_922 : memref<1x32x100xf32, #tpu.memory_space<vmem>> -> memref<32x100xf32, #tpu.memory_space<vmem>>
      %dma_wait3A_924 = arith.constant 0 : i32
      %dma_wait3A_925 = arith.constant 0 : i32
      %dma_wait3A_926 = tpu.memref_slice %arg5[%dma_wait3A_907, %dma_wait3A_924, %dma_wait3A_925] : memref<10000x32x100xf32, #tpu.memory_space<hbm>> -> memref<1x32x100xf32, #tpu.memory_space<hbm>>
      %dma_wait3A_927 = tpu.memref_squeeze %dma_wait3A_926 : memref<1x32x100xf32, #tpu.memory_space<hbm>> -> memref<32x100xf32, #tpu.memory_space<hbm>>
      tpu.wait_dma2 semaphore(%dma_wait3A_919 : memref<!tpu.dma_semaphore, #tpu.memory_space<semaphore_mem>>) src(%dma_wait3A_927 : memref<32x100xf32, #tpu.memory_space<hbm>>) dst(%dma_wait3A_923 : memref<32x100xf32, #tpu.memory_space<vmem>>)
      %gather3A_928 = arith.constant 7 : i32
      %gather3A_929 = arith.constant 0 : i32
      %gather3A_930 = arith.constant 0 : i32
      %gather3A_931 = tpu.memref_slice %arg10[%gather3A_928, %gather3A_929, %gather3A_930] : memref<8x32x100xf32, #tpu.memory_space<vmem>> -> memref<1x32x100xf32, #tpu.memory_space<vmem>>
      %gather3A_932 = tpu.memref_squeeze %gather3A_931 : memref<1x32x100xf32, #tpu.memory_space<vmem>> -> memref<32x100xf32, #tpu.memory_space<vmem>>
      %gather3A_933 = tpu.vector_load_idx %gather3A_932[%iota3A, %broadcast_in_dim3A_906] : memref<32x100xf32, #tpu.memory_space<vmem>>[vector<16xi32>, vector<16xi32>], vector<16xf32>,
      %gather3A_934 = arith.constant 7 : i32
      %gather3A_935 = arith.constant 0 : i32
      %gather3A_936 = arith.constant 0 : i32
      %gather3A_937 = tpu.memref_slice %arg10[%gather3A_934, %gather3A_935, %gather3A_936] : memref<8x32x100xf32, #tpu.memory_space<vmem>> -> memref<1x32x100xf32, #tpu.memory_space<vmem>>
      %gather3A_938 = tpu.memref_squeeze %gather3A_937 : memref<1x32x100xf32, #tpu.memory_space<vmem>> -> memref<32x100xf32, #tpu.memory_space<vmem>>
      %gather3A_939 = tpu.vector_load_idx %gather3A_938[%add3A_323, %broadcast_in_dim3A_906] : memref<32x100xf32, #tpu.memory_space<vmem>>[vector<16xi32>, vector<16xi32>], vector<16xf32>,
      %swap3A_940 = arith.index_cast %add3A_901 : i32 to index
      %swap3A_941 = arith.constant 0 : index
      %swap3A_942 = tpu.vector_load %arg11[%swap3A_940, %swap3A_941] {strides = array<i32>} : memref<512x32xf32, #tpu.memory_space<vmem>>, vector<16xf32>,
      tpu.vector_store %arg11[%swap3A_940, %swap3A_941], %gather3A_933 {strides = array<i32>} : memref<512x32xf32, #tpu.memory_space<vmem>>, vector<16xf32>,
      %swap3A_943 = arith.index_cast %add3A_901 : i32 to index
      %swap3A_944 = arith.constant 16 : index
      %swap3A_945 = tpu.vector_load %arg11[%swap3A_943, %swap3A_944] {strides = array<i32>} : memref<512x32xf32, #tpu.memory_space<vmem>>, vector<16xf32>,
      tpu.vector_store %arg11[%swap3A_943, %swap3A_944], %gather3A_939 {strides = array<i32>} : memref<512x32xf32, #tpu.memory_space<vmem>>, vector<16xf32>,
      %add3A_946 = arith.constant 8 : i32
      %add3A_947 = arith.addi %add3A_901, %add3A_946 : i32
      %lt3A_948 = arith.constant 512 : i32
      %lt3A_949 = arith.cmpi slt, %add3A_947, %lt3A_948 : i32
      %convert_element_type3A_950 = arith.extui %lt3A_949 : i1 to i32
      %cond3A_951 = arith.constant 0 : i32
      %cond3A_952 = arith.cmpi ne, %convert_element_type3A_950, %cond3A_951 : i32
      scf.if %cond3A_952 {
        %add3A_953 = arith.constant 8 : i32
        %add3A_954 = arith.addi %add3A_901, %add3A_953 : i32
        %get3A_955 = arith.index_cast %add3A_954 : i32 to index
        %get3A_956 = tpu.vector_load %arg7[%get3A_955] {strides = array<i32>} : memref<528xi32, #tpu.memory_space<vmem>>, vector<16xi32>,
        %slice3A_957 = vector.extract_strided_slice %get3A_956 {offsets = [0], sizes = [1], strides = [1]} : vector<16xi32> to vector<1xi32>
        %squeeze3A_958 = vector.extract %slice3A_957[0] : i32 from vector<1xi32>
        %dma_start3A_959 = arith.constant 7 : i32
        %dma_start3A_960 = arith.constant 7 : i32
        %dma_start3A_961 = arith.constant 0 : i32
        %dma_start3A_962 = arith.constant 0 : i32
        %dma_start3A_963 = tpu.memref_slice %arg10[%dma_start3A_959, %dma_start3A_961, %dma_start3A_962] : memref<8x32x100xf32, #tpu.memory_space<vmem>> -> memref<1x32x100xf32, #tpu.memory_space<vmem>>
        %dma_start3A_964 = tpu.memref_squeeze %dma_start3A_963 : memref<1x32x100xf32, #tpu.memory_space<vmem>> -> memref<32x100xf32, #tpu.memory_space<vmem>>
        %dma_start3A_965 = arith.constant 0 : i32
        %dma_start3A_966 = arith.constant 0 : i32
        %dma_start3A_967 = tpu.memref_slice %arg5[%squeeze3A_958, %dma_start3A_965, %dma_start3A_966] : memref<10000x32x100xf32, #tpu.memory_space<hbm>> -> memref<1x32x100xf32, #tpu.memory_space<hbm>>
        %dma_start3A_968 = tpu.memref_squeeze %dma_start3A_967 : memref<1x32x100xf32, #tpu.memory_space<hbm>> -> memref<32x100xf32, #tpu.memory_space<hbm>>
        %dma_start3A_969 = tpu.memref_slice %arg12[%dma_start3A_960] : memref<8x!tpu.dma_semaphore, #tpu.memory_space<semaphore_mem>> -> memref<1x!tpu.dma_semaphore, #tpu.memory_space<semaphore_mem>>
        %dma_start3A_970 = tpu.memref_squeeze %dma_start3A_969 : memref<1x!tpu.dma_semaphore, #tpu.memory_space<semaphore_mem>> -> memref<!tpu.dma_semaphore, #tpu.memory_space<semaphore_mem>>
        %dma_start3A_971 = arith.constant 0 : i32
        %dma_start3A_972 = arith.constant 0 : i32
        %dma_start3A_973 = tpu.memref_slice %arg10[%dma_start3A_959, %dma_start3A_971, %dma_start3A_972] : memref<8x32x100xf32, #tpu.memory_space<vmem>> -> memref<1x32x100xf32, #tpu.memory_space<vmem>>
        %dma_start3A_974 = tpu.memref_squeeze %dma_start3A_973 : memref<1x32x100xf32, #tpu.memory_space<vmem>> -> memref<32x100xf32, #tpu.memory_space<vmem>>
        %dma_start3A_975 = arith.constant 0 : i32
        %dma_start3A_976 = arith.constant 0 : i32
        %dma_start3A_977 = tpu.memref_slice %arg5[%squeeze3A_958, %dma_start3A_975, %dma_start3A_976] : memref<10000x32x100xf32, #tpu.memory_space<hbm>> -> memref<1x32x100xf32, #tpu.memory_space<hbm>>
        %dma_start3A_978 = tpu.memref_squeeze %dma_start3A_977 : memref<1x32x100xf32, #tpu.memory_space<hbm>> -> memref<32x100xf32, #tpu.memory_space<hbm>>
        tpu.enqueue_dma source(%dma_start3A_978 : memref<32x100xf32, #tpu.memory_space<hbm>>) target(%dma_start3A_974 : memref<32x100xf32, #tpu.memory_space<vmem>>) target_semaphore(%dma_start3A_970 : memref<!tpu.dma_semaphore, #tpu.memory_space<semaphore_mem>>)
      } else {
      }
    }
    %scan3A_517 = arith.constant 64 : i32
    "tpu.region"() ({
      %run_scoped3A = tpu.sem_alloc : memref<!tpu.dma_semaphore, #tpu.memory_space<semaphore_mem>>
      %dma_start3A_518 = arith.constant 0 : i32
      %dma_start3A_519 = tpu.memref_slice %arg6[%multiple_of3A, %dma_start3A_518] : memref<16384x32xf32, #tpu.memory_space<hbm>> -> memref<512x32xf32, #tpu.memory_space<hbm>>
      %dma_start3A_520 = arith.constant 0 : i32
      %dma_start3A_521 = tpu.memref_slice %arg6[%multiple_of3A, %dma_start3A_520] : memref<16384x32xf32, #tpu.memory_space<hbm>> -> memref<512x32xf32, #tpu.memory_space<hbm>>
      tpu.enqueue_dma source(%arg11 : memref<512x32xf32, #tpu.memory_space<vmem>>) target(%dma_start3A_521 : memref<512x32xf32, #tpu.memory_space<hbm>>) target_semaphore(%run_scoped3A : memref<!tpu.dma_semaphore, #tpu.memory_space<semaphore_mem>>)
      %dma_wait3A = arith.constant 0 : i32
      %dma_wait3A_522 = tpu.memref_slice %arg6[%multiple_of3A, %dma_wait3A] : memref<16384x32xf32, #tpu.memory_space<hbm>> -> memref<512x32xf32, #tpu.memory_space<hbm>>
      %dma_wait3A_523 = arith.constant 0 : i32
      %dma_wait3A_524 = tpu.memref_slice %arg6[%multiple_of3A, %dma_wait3A_523] : memref<16384x32xf32, #tpu.memory_space<hbm>> -> memref<512x32xf32, #tpu.memory_space<hbm>>
      tpu.wait_dma2 semaphore(%run_scoped3A : memref<!tpu.dma_semaphore, #tpu.memory_space<semaphore_mem>>) src(%arg11 : memref<512x32xf32, #tpu.memory_space<vmem>>) dst(%dma_wait3A_524 : memref<512x32xf32, #tpu.memory_space<hbm>>)
      tpu.yield
    }) : () -> ()
    return
  }
}

</mosaic_0001>

<sc_bundles>
// kernel: _lookup.3.cloned.1.call-start
scs
__scs_entry_jumppad:
0x0: {  	(pc) =	sbr.rel $0x88, $3  }
0x1: {  	(tag) =	ssettag $0x0;
	lr =	simm.s32 $0x1  }
0x2: {  	[smem:$0x3F9D] =	sst lr;
	_ =	strace $0xD0000000  }
0x3: {  	_ = 	snop  }
0x4: {  	_ = 	snop  }
0x5: {  	_ = 	snop  }
0x6: {  	_ = 	snop  }
0x7: {  	_ = 	snop  }
__scs_overlays_trampoline_lowered:
0x8: {  	[smem:$0x3FAC] =	sst s0  }
0x9: {  	[smem:$0x3FAD] =	sst s1  }
0xa: {  	[smem:$0x3FAE] =	sst s2  }
0xb: {  	[smem:$0x3FAF] =	sst s3  }
0xc: {  	[smem:$0x3FB0] =	sst s4  }
0xd: {  	[smem:$0x3FB1] =	sst s5  }
0xe: {  	[smem:$0x3FB2] =	sst s6  }
0xf: {  	[smem:$0x3FB3] =	sst s7  }
0x10: {  	[smem:$0x3FB4] =	sst s8  }
0x11: {  	[smem:$0x3FB5] =	sst s9;
	s0 =	simm.s32 @!p0 $0x0  }
0x12: {  	s1 =	sld [smem:$0x3F9B];
	s0 =	simm.s32 @p0 $0x1  }
0x13: {  	[smem:$0x3FB6] =	sst s0;
	s0 =	simm.s32 @!p1 $0x0  }
0x14: {  	s2 =	sld [smem:$0x3F9A];
	s0 =	simm.s32 @p1 $0x1  }
0x15: {  	[smem:$0x3FB7] =	sst s0;
	s0 =	simm.s32 @!p2 $0x0  }
0x16: {  	s3 =	sld [smem:$0x3FDB];
	s0 =	simm.s32 @p2 $0x1  }
0x17: {  	s4 =	simm.s32 $0x1BF5;
	[smem:$0x3FB9] =	sst s0  }
0x18: {  	s0 =	sld [smem:$0x3F9C];
	_ =	swait.ge [sflag:s4], $0x0  }
0x19: {  	s7 =	sld [smem:$0x3F9D]  }
0x1a: {  	s8 =	sadd.s32 $0xFFFFE003, lr  }
0x1b: {  	s9 =	sadd.s32 $0xFFFFFEF7, lr;
	s5 =	simm.s32 $0xFFFFFFFF;
	p2 =	slt.u32 s8, $0xFFFFF086  }
0x1c: {  	p1 =	slt.u32 s9, $0xF7A;
	s5 =	simm.s32 @!p2 $0x0  }
0x1d: {  	s5 =	simm.s32 @p1 $0x1;
	p0 =	seq.s32 s7, s2  }
0x1e: {  	s7 =	smul.u32 @!p0 $0xF7A, s2;
	p2 =	seq.s32 @!p0 s5, $0x0  }
0x1f: {  	s9 =	smul.u32 $0xF7A, s1;
	s8 =	simm.s32 @!p0 $0x1BF5;
	p2 =	por !p2, p0  }
0x20: {  	[sflag:s8] =	ssyncset.s32 @!p0 $0xFFFFF086;
	s6 =	sadd.s32 @!p0 s3, s7;
	s7 =	simm.s32 @!p0 $0x108  }
0x21: {  	s3 =	sadd.s32 s3, s9;
	s6 =	sadd.s32 @!p0 $0x88, s6;
	s7 =	simm.s32 @p2 $0x1082  }
0x22: {  	[simem:s7], [sflag:s8] =	dma.local @!p0 [hbm:s6], $0xF7A  }
0x23: {  	s9 =	sor.u32 $0xD0000000, s2;
	s6 =	simm.s32 $0x108;
	_ =	swait.ge @!p0 [sflag:s8], $0x0  }
0x24: {  	s3 =	sadd.s32 $0x88, s3;
	s6 =	simm.s32 @!p1 $0x1082;
	[sflag:s4] =	ssyncset.s32 $0xFFFFF086  }
0x25: {  	[simem:s6], [sflag:s4] =	dma.local [hbm:s3], $0xF7A  }
0x26: {  	[smem:$0x3F9D] =	sst s1;
	(tag) =	ssettag s2;
	_ =	strace s9  }
0x27: {  	s1 =	sld [smem:$0x3FAD]  }
0x28: {  	s2 =	sld [smem:$0x3FAE]  }
0x29: {  	s4 =	sld [smem:$0x3FB0]  }
0x2a: {  	p0 =	seq.s32 s5, $0x0;
	s5 =	sld [smem:$0x3FB1]  }
0x2b: {  	s6 =	sld [smem:$0x3FB2]  }
0x2c: {  	s7 =	sld [smem:$0x3FB3]  }
0x2d: {  	s3 =	simm.s32 $0x108;
	s8 =	sld [smem:$0x3FB4]  }
0x2e: {  	s3 =	simm.s32 @!p0 $0x1082;
	s9 =	sld [smem:$0x3FB5]  }
0x2f: {  	lr =	sadd.s32 s0, s3;
	s0 =	sld [smem:$0x3FAC]  }
0x30: {  	s3 =	sld [smem:$0x3FAF]  }
0x31: {  	[smem:$0x3FB8] =	sst s10  }
0x32: {  	s10 =	sld [smem:$0x3FB6];
	_ =	sdelay $0x3  }
0x33: {  	p0 =	seq.s32 s10, $0x1;
	s10 =	sld [smem:$0x3FB8];
	_ =	sdelay $0x3  }
0x34: {  	[smem:$0x3FB8] =	sst s10  }
0x35: {  	s10 =	sld [smem:$0x3FB7];
	_ =	sdelay $0x3  }
0x36: {  	p1 =	seq.s32 s10, $0x1;
	s10 =	sld [smem:$0x3FB8];
	_ =	sdelay $0x3  }
0x37: {  	[smem:$0x3FB8] =	sst s10  }
0x38: {  	s10 =	sld [smem:$0x3FB9]  }
0x39: {  	_ = 	snop;
	(pc) =	sbr.ind lr, $3  }
0x3a: {  	_ = 	snop  }
0x3b: {  	_ = 	snop  }
0x3c: {  	p2 =	seq.s32 s10, $0x1;
	s10 =	sld [smem:$0x3FB8]  }
0x3d: {  	_ =	shalt  }
0x3e: {  	_ =	shalt  }
0x3f: {  	_ =	shalt  }
0x40: {  	_ =	shalt  }
0x41: {  	_ =	shalt  }
0x42: {  	_ =	shalt  }
0x43: {  	_ =	shalt  }
0x44: {  	_ =	shalt  }
0x45: {  	_ =	shalt  }
0x46: {  	_ =	shalt  }
0x47: {  	_ =	shalt  }
0x48: {  	_ =	shalt  }
0x49: {  	_ =	shalt  }
0x4a: {  	_ =	shalt  }
0x4b: {  	_ =	shalt  }
0x4c: {  	_ =	shalt  }
0x4d: {  	_ =	shalt  }
0x4e: {  	_ =	shalt  }
0x4f: {  	_ =	shalt  }
0x50: {  	_ =	shalt  }
0x51: {  	_ =	shalt  }
0x52: {  	_ =	shalt  }
0x53: {  	_ =	shalt  }
0x54: {  	_ =	shalt  }
0x55: {  	_ =	shalt  }
0x56: {  	_ =	shalt  }
0x57: {  	_ =	shalt  }
0x58: {  	_ =	shalt  }
0x59: {  	_ =	shalt  }
0x5a: {  	_ =	shalt  }
0x5b: {  	_ =	shalt  }
0x5c: {  	_ =	shalt  }
0x5d: {  	_ =	shalt  }
0x5e: {  	_ =	shalt  }
0x5f: {  	_ =	shalt  }
0x60: {  	_ =	shalt  }
0x61: {  	_ =	shalt  }
0x62: {  	_ =	shalt  }
0x63: {  	_ =	shalt  }
0x64: {  	_ =	shalt  }
0x65: {  	_ =	shalt  }
0x66: {  	_ =	shalt  }
0x67: {  	_ =	shalt  }
0x68: {  	_ =	shalt  }
0x69: {  	_ =	shalt  }
0x6a: {  	_ =	shalt  }
0x6b: {  	_ =	shalt  }
0x6c: {  	_ =	shalt  }
0x6d: {  	_ =	shalt  }
0x6e: {  	_ =	shalt  }
0x6f: {  	_ =	shalt  }
0x70: {  	_ =	shalt  }
0x71: {  	_ =	shalt  }
0x72: {  	_ =	shalt  }
0x73: {  	_ =	shalt  }
0x74: {  	_ =	shalt  }
0x75: {  	_ =	shalt  }
0x76: {  	_ =	shalt  }
0x77: {  	_ =	shalt  }
0x78: {  	_ =	shalt  }
0x79: {  	_ =	shalt  }
0x7a: {  	_ =	shalt  }
0x7b: {  	_ =	shalt  }
0x7c: {  	_ =	shalt  }
0x7d: {  	_ =	shalt  }
0x7e: {  	_ =	shalt  }
0x7f: {  	_ =	shalt  }
0x80: {  	_ =	shalt  }
0x81: {  	_ =	shalt  }
0x82: {  	_ =	shalt  }
0x83: {  	_ =	shalt  }
0x84: {  	_ =	shalt  }
0x85: {  	_ =	shalt  }
0x86: {  	_ =	shalt  }
0x87: {  	_ =	shalt  }
.Lfunc_end0:
.L_simem_size_0:
called_computation_lowered:
.L_overlay_start_0:
0x88: {  	s2 =	sld [smem:$0x3FD9]  }
0x89: {  	s3 =	sld [smem:$0x3FFE];
	_ =	sdelay $0x1  }
0x8a: {  	s1 =	srdreg.scid  }
0x8b: {  	s0 =	sand.u32 $0x1, s1  }
0x8c: {  	s17 =	sshll.u32 s0, $0xA;
	s2 =	sadd.s32 s3, s2  }
0x8d: {  	s2 =	sadd.s32 s2, s17  }
0x8e: {  	[smem:$0x3FC4] =	sst s2  }
0x8f: {  	_ = 	snop  }
0x90: {  	s2 =	sld [smem:$0x3FC9]  }
0x91: {  	s18 =	sld [smem:$0x3FC8]  }
0x92: {  	s4 =	sld [smem:$0x3FC7];
	(tm) =	ssettm $0x1  }
0x93: {  	s5 =	sld [smem:$0x3FFB];
	_ =	sdelay $0x3  }
0x94: {  	_ =	strace s5  }
0x95: {  	s5 =	sld [smem:$0x3FFC];
	_ =	sdelay $0x3  }
0x96: {  	_ =	strace s5  }
0x97: {  	s5 =	sld [smem:$0x3FFD];
	_ =	sdelay $0x3  }
0x98: {  	_ =	strace s5  }
0x99: {  	_ =	strace $0x8FFFFFFF  }
0x9a: {  	s19 =	sld [smem:$0x3FDB];
	_ =	sdelay $0x1  }
0x9b: {  	s6 =	simm.s32 $_scs_section_size  }
0x9c: {  	s7 =	simm.s32 $_size__tile_overlayer_lowered;
	s8 =	simm.s32 $_tile_overlayer_lowered  }
0x9d: {  	s22 =	simm.s32 $0x1BFF;
	s21 =	sshll.u32 s8, $0x1;
	s5 =	sadd.s32 s6, s19  }
0x9e: {  	s9 =	simm.s32 $0x0;
	s20 =	sshll.u32 s7, $0x1;
	s7 =	sadd.s32 s21, s5  }
0x9f: {  	[timem:s9], [sflag:s22] =	dma.local [hbm:s7], s20  }
0xa0: {  	_ =	swait.ge [sflag:s22], s20  }
0xa1: {  	s6 =	ssub.s32 $0x0, s20;
	[sflag:s22] =	ssyncset.done $0x0  }
0xa2: {  	[sflag:s22] =	ssyncadd.s32 s6;
	_ =	sdelay $0x1  }
0xa3: {  	s23 =	simm.s32 $0x1B8B  }
0xa4: {  	_ =	swait.ge [sflag:s23], $0x1  }
0xa5: {  	[sflag:s23] =	ssyncset.done $0x0  }
0xa6: {  	s25 =	simm.s32 $0x1B8E;
	s24 =	sld [smem:$0x3FFE];
	[sflag:s23] =	ssyncadd.s32 $0xFFFFFFFF  }
0xa7: {  	s26 =	simm.s32 $execute0_lowered;
	[smem:$0x3FD2] =	sst s25  }
0xa8: {  	s7 =	sshll.u32 s26, $0x1;
	_ =	strace $0x80000046;
	[dreg:$0x1] =	wrdreg $0xFFFFFFFF  }
0xa9: {  	s28 =	simm.s32 $_size_execute0_lowered;
	s5 =	sadd.s32 s5, s7;
	[dreg:$0x0] =	wrdreg $0x0  }
0xaa: {  	s7 =	sshll.u32 s28, $0x1;
	[dreg:$0x2] =	wrdreg s5  }
0xab: {  	[dreg:$0x3] =	wrdreg s7  }
0xac: {  	[dreg:$0x4] =	wrdreg $0xC0  }
0xad: {  	_ =	task [dreg:s9], $0x5FFFF  }
0xae: {  	[dreg:$0x1] =	wrdreg $0xFFFFFFFF  }
0xaf: {  	[dreg:$0x0] =	wrdreg $0x60  }
0xb0: {  	[dreg:$0x2] =	wrdreg s2  }
0xb1: {  	[dreg:$0x3] =	wrdreg s18  }
0xb2: {  	[dreg:$0x4] =	wrdreg s4  }
0xb3: {  	[dreg:$0x5] =	wrdreg s24  }
0xb4: {  	[dreg:$0x6] =	wrdreg $0x9  }
0xb5: {  	_ =	task.clear_ibuf [dreg:s9], $0x7FFFF;
	_ =	strace $0x90000046  }
0xb6: {  	s29 =	simm.s32 $0x9;
	_ =	strace $0x80000048  }
0xb7: {  	_ =	swait.ge [sflag:s29], $0x1  }
0xb8: {  	[sflag:s29] =	ssyncadd.s32 $0xFFFFFFFF  }
0xb9: {  	_ =	strace $0x90000048  }
0xba: {  	_ =	sfence  }
0xbb: {  	s30 =	sld [smem:$0x0];
	_ =	sdelay $0x2  }
0xbc: {  	s31 =	sshll.u32 s1, $0xD;
	s1 =	sshrl.u32 s1, $0x2  }
0xbd: {  	s3 =	sand.u32 $0x4000, s31;
	s1 =	sadd.s32 s1, s30  }
0xbe: {  	s0 =	sor.u32 s3, s0;
	s1 =	sshll.u32 s1, $0x11  }
0xbf: {  	s0 =	sor.u32 s1, s0  }
0xc0: {  	s0 =	sadd.s32 $0x8F2B, s0  }
0xc1: {  	[sflag:s0] =	ssyncadd.remote.s32 $0x1  }
0xc2: {  	_ =	sfence.sel $0xFFFF  }
0xc3: {  	[dreg:$0x0] =	wrdreg $0xFFFFFFFF;
	(pc) =	sbr.abs _section_cstart, $3  }
0xc4: {  	[dreg:$0x1] =	wrdreg $0xFFFFFFFF  }
0xc5: {  	_ =	task.clear_ibuf [dreg:s9], $0x2FFFF;
	_ =	strace $0x9FFFFFFF  }
0xc6: {  	(tm) =	ssettm $0x7FFFFFFF  }
0xc7: {  	_ =	shalt  }
tec
execute0_lowered:
.L_overlay_start_1:
0x0: {  	(tag) =	ssettag $0x1  }
0x1: {  	s0 =	rddreg [dreg:$0x0]  }
0x2: {  	s1 =	rddreg [dreg:$0x1]  }
0x3: {  	s6 =	rddreg [dreg:$0x2]  }
0x4: {  	s4 =	rddreg [dreg:$0x3];
	s3 =	srdreg.scid;
	s2 =	simm.s32 $0x0  }
0x5: {  	s7 =	stileid.u32;
	s12 =	simm.s32 $0x700;
	s13 =	simm.s32 $0x1700  }
0x6: {  	s14 =	simm.s32 $0x2700;
	s15 =	simm.s32 $0x3700;
	s16 =	simm.s32 $0x4700  }
0x7: {  	s17 =	simm.s32 $0x5700;
	s18 =	simm.s32 $0x6700;
	s19 =	simm.s32 $0x7700  }
0x8: {  	s20 =	simm.s32 $0x1;
	s21 =	simm.s32 $0x2;
	s22 =	simm.s32 $0x3  }
0x9: {  	s23 =	simm.s32 $0x4;
	s24 =	simm.s32 $0x5;
	s25 =	simm.s32 $0x6  }
0xa: {  	s28 =	simm.s32 $0x8;
	s30 =	simm.s32 $0x0;
	s5 =	sand.u32 $0x1, s3  }
0xb: {  	[smem:$0x7FF] =	sst s2;
	s26 =	sshll.u32 s7, $0xA;
	s3 =	sadd.s32 $0x400, s4  }
0xc: {  	s29 =	sshll.u32 s5, $0x9;
	_ =	strace $0x80000047;
	s5 =	ssub.s32 $0x2, s5  }
.Ltmp0:
0xd: {  	s7 =	sor.u32 s29, s26;
	s31 =	sshrl.u32 s5, $0x1;
	(pc) =	sbr.rel .LBB2_1-.Ltmp0, $4  }
0xe: {  	v0 =	vlaneseq.u32;
	s26 =	simm.s32 $0x7;
	s8 =	sshll.u32 s7, $0x4;
	s7 =	sshrl.u32 s7, $0x3  }
0xf: {  	v0 =	vmul.u32 $0x80, v0;
	s9 =	ssub.s32 s5, s31;
	s8 =	sadd.s32 s8, s4;
	s0 =	sadd.s32 s0, s7  }
0x10: {  	s5 =	sadd.s32 s1, s7;
	s6 =	sadd.s32 s6, s7;
	[dreg:$0x5] =	wrdreg s0  }
0x11: {  	v1 =	vor.u32 $0x800, v0;
	s7 =	sadd.s32 $0x4E2400, s8;
	s8 =	smax.u32 s9, $0x1;
	s9 =	simm.s32 $0x9  }
.LBB2_4:
0x12: {  	s30 =	sadd.s32 $0x1, s30  }
0x13: {  	p0 =	sne.s32 s30, s8  }
.Ltmp1:
0x14: {  	s0 =	simm.s32 $0x8700;
	(pc) =	sbr.rel @!p0 .LBB2_5-.Ltmp1, $4  }
0x15: {  	[hbm4b:s7+s2] =	stream.linear.scatter [tilespmem:s0], [sflag:$0x9], $0x10000, $0x38;
	[tilespmem:$0x18700] =	vst v63  }
0x16: {  	_ =	swait.ge [sflag:s9], $0x10000  }
0x17: {  	[sflag:s9] =	ssyncset.done $0x0  }
0x18: {  	[sflag:s9] =	ssyncadd.s32 $0xFFFF0000  }
.LBB2_1:
0x19: {  	s0 =	rddreg [dreg:$0x5]  }
0x1a: {  	[tilespmem:s2], [sflag:$0x9] =	stream.linear.gather [hbm4b:s0+s2], $0x200, $0x38;
	[tilespmem:$0x18700] =	vst v63  }
0x1b: {  	_ =	swait.ge [sflag:s9], $0x200  }
0x1c: {  	[sflag:s9] =	ssyncset.done $0x0  }
0x1d: {  	s1 =	simm.s32 $0x280;
	[sflag:s9] =	ssyncadd.s32 $0xFFFFFE00  }
0x1e: {  	[tilespmem:s1], [sflag:$0x9] =	stream.linear.gather [hbm4b:s5+s2], $0x200, $0x38;
	[tilespmem:$0x18700] =	vst v63  }
0x1f: {  	_ =	swait.ge [sflag:s9], $0x200  }
0x20: {  	[sflag:s9] =	ssyncset.done $0x0  }
0x21: {  	s4 =	simm.s32 $0x480;
	[sflag:s9] =	ssyncadd.s32 $0xFFFFFE00  }
0x22: {  	[tilespmem:s4], [sflag:$0x9] =	stream.linear.gather [hbm4b:s6+s2], $0x200, $0x38;
	[tilespmem:$0x18700] =	vst v63  }
0x23: {  	_ =	swait.ge [sflag:s9], $0x200  }
0x24: {  	[sflag:s9] =	ssyncset.done $0x0  }
0x25: {  	[sflag:s9] =	ssyncadd.s32 $0xFFFFFE00  }
0x26: {  	v2 =	vld [tilespmem:$0x0]  }
0x27: {  	v3 =	vld [tilespmem:$0x280]  }
0x28: {  	v4 =	vld [tilespmem:$0x10]  }
0x29: {  	v5 =	vld [tilespmem:$0x290]  }
0x2a: {  	v6 =	vld [tilespmem:$0x20]  }
0x2b: {  	v7 =	vld [tilespmem:$0x2A0]  }
0x2c: {  	v8 =	vld [tilespmem:$0x30]  }
0x2d: {  	v9 =	vld [tilespmem:$0x2B0]  }
0x2e: {  	v10 =	vld [tilespmem:$0x40]  }
0x2f: {  	v11 =	vld [tilespmem:$0x2C0]  }
0x30: {  	v12 =	vld [tilespmem:$0x50]  }
0x31: {  	v13 =	vld [tilespmem:$0x2D0]  }
0x32: {  	v14 =	vld [tilespmem:$0x60]  }
0x33: {  	v15 =	vld [tilespmem:$0x2E0]  }
0x34: {  	v16 =	vld [tilespmem:$0x70]  }
0x35: {  	v17 =	vld [tilespmem:$0x2F0]  }
0x36: {  	v18 =	vld [tilespmem:$0x80]  }
0x37: {  	v19 =	vld [tilespmem:$0x300]  }
0x38: {  	v20 =	vld [tilespmem:$0x90]  }
0x39: {  	v21 =	vld [tilespmem:$0x310]  }
0x3a: {  	v22 =	vld [tilespmem:$0xA0]  }
0x3b: {  	v23 =	vld [tilespmem:$0x320]  }
0x3c: {  	v24 =	vld [tilespmem:$0xB0]  }
0x3d: {  	v25 =	vld [tilespmem:$0x330]  }
0x3e: {  	v26 =	vld [tilespmem:$0xC0]  }
0x3f: {  	v27 =	vld [tilespmem:$0x340]  }
0x40: {  	v28 =	vld [tilespmem:$0xD0]  }
0x41: {  	v29 =	vld [tilespmem:$0x350]  }
0x42: {  	v30 =	vld [tilespmem:$0xE0]  }
0x43: {  	v31 =	vld [tilespmem:$0x360]  }
0x44: {  	v32 =	vld [tilespmem:$0xF0]  }
0x45: {  	v33 =	vld [tilespmem:$0x370]  }
0x46: {  	v34 =	vld [tilespmem:$0x100]  }
0x47: {  	v35 =	vld [tilespmem:$0x380]  }
0x48: {  	v36 =	vld [tilespmem:$0x110]  }
0x49: {  	v37 =	vld [tilespmem:$0x390];
	v4 =	vmul.u32 $0x64, v4  }
0x4a: {  	v38 =	vld [tilespmem:$0x120];
	v6 =	vmul.u32 $0x64, v6  }
0x4b: {  	v52 =	vld [tilespmem:$0x150];
	v41 =	vmul.u32 $0x64, v8;
	v4 =	vadd.s32 v5, v4  }
0x4c: {  	v57 =	vld [tilespmem:$0x160];
	v43 =	vmul.u32 $0x64, v10;
	v42 =	vadd.s32 v7, v6;
	[tilespmem:$0x10] =	vst v4  }
0x4d: {  	v60 =	vld [tilespmem:$0x3E0];
	v45 =	vmul.u32 $0x64, v12;
	v44 =	vadd.s32 v9, v41;
	[tilespmem:$0x20] =	vst v42  }
0x4e: {  	v63 =	vld [tilespmem:$0x170];
	v47 =	vmul.u32 $0x64, v14;
	v46 =	vadd.s32 v11, v43;
	[tilespmem:$0x30] =	vst v44  }
0x4f: {  	v40 =	vld [tilespmem:$0x400];
	v49 =	vmul.u32 $0x64, v16;
	v48 =	vadd.s32 v13, v45;
	[tilespmem:$0x40] =	vst v46  }
0x50: {  	v8 =	vld [tilespmem:$0x3A0];
	v51 =	vmul.u32 $0x64, v18;
	v50 =	vadd.s32 v15, v47;
	[tilespmem:$0x50] =	vst v48  }
0x51: {  	v10 =	vld [tilespmem:$0x140];
	v54 =	vmul.u32 $0x64, v20;
	v53 =	vadd.s32 v17, v49;
	[tilespmem:$0x60] =	vst v50  }
0x52: {  	v56 =	vmul.u32 $0x64, v22;
	v62 =	vmul.u32 $0x64, v26;
	v26 =	vld [tilespmem:$0x3F0];
	v55 =	vadd.s32 v19, v51;
	[tilespmem:$0x70] =	vst v53  }
0x53: {  	v59 =	vmul.u32 $0x64, v24;
	v7 =	vld [tilespmem:$0x130];
	v58 =	vadd.s32 v21, v54;
	[tilespmem:$0x80] =	vst v55  }
0x54: {  	v9 =	vld [tilespmem:$0x3B0];
	v61 =	vadd.s32 v23, v56;
	[tilespmem:$0x90] =	vst v58  }
0x55: {  	v2 =	vmul.u32 $0x64, v2;
	v11 =	vld [tilespmem:$0x3C0];
	v24 =	vadd.s32 v25, v59;
	[tilespmem:$0xA0] =	vst v61  }
0x56: {  	v39 =	vmul.u32 $0x64, v30;
	v13 =	vld [tilespmem:$0x3D0];
	v27 =	vadd.s32 v27, v62;
	[tilespmem:$0xB0] =	vst v24  }
0x57: {  	v25 =	vmul.u32 $0x64, v28;
	v28 =	vld [tilespmem:$0x180];
	v2 =	vadd.s32 v3, v2;
	[tilespmem:$0xC0] =	vst v27  }
0x58: {  	v3 =	vmul.u32 $0x64, v32;
	v41 =	vld [tilespmem:$0x190];
	v5 =	vadd.s32 v31, v39;
	v51 =	vmul.u32 $0x64, v52;
	[tilespmem:$0x0] =	vst v2  }
0x59: {  	v52 =	vld [tilespmem:$0x1C0];
	v42 =	vmul.u32 $0x64, v34;
	(v2sf) =	vpush v2, $0x0;
	[tilespmem:$0xE0] =	vst v5;
	v29 =	vadd.s32 v29, v25  }
0x5a: {  	v43 =	vmul.u32 $0x64, v36;
	v54 =	vld [tilespmem:$0x440];
	v3 =	vadd.s32 v33, v3;
	[tilespmem:$0xD0] =	vst v29  }
0x5b: {  	v45 =	vmul.u32 $0x64, v38;
	v56 =	vld [tilespmem:$0x1D0];
	[tilespmem:$0xF0] =	vst v3;
	v3 =	vadd.s32 v35, v42  }
0x5c: {  	v2 =	vld [tilespmem:$0x410];
	[tilespmem:$0x100] =	vst v3;
	v3 =	vadd.s32 v37, v43;
	v47 =	vmul.u32 $0x64, v7  }
0x5d: {  	v44 =	vld [tilespmem:$0x1A0];
	v49 =	vmul.u32 $0x64, v10;
	[tilespmem:$0x110] =	vst v3;
	v3 =	vadd.s32 v8, v45  }
0x5e: {  	v46 =	vld [tilespmem:$0x420];
	[tilespmem:$0x120] =	vst v3;
	v3 =	vadd.s32 v9, v47  }
0x5f: {  	v48 =	vld [tilespmem:$0x1B0];
	v53 =	vmul.u32 $0x64, v57;
	[tilespmem:$0x130] =	vst v3;
	v3 =	vadd.s32 v11, v49  }
0x60: {  	v50 =	vld [tilespmem:$0x430];
	v55 =	vmul.u32 $0x64, v63;
	[tilespmem:$0x140] =	vst v3;
	v3 =	vadd.s32 v13, v51  }
0x61: {  	v57 =	vld [tilespmem:$0x450];
	v6 =	vmul.u32 $0x64, v28;
	[tilespmem:$0x150] =	vst v3;
	v3 =	vadd.s32 v60, v53  }
0x62: {  	v58 =	vld [tilespmem:$0x1E0];
	v4 =	vmul.u32 $0x64, v41;
	[tilespmem:$0x160] =	vst v3;
	v3 =	vadd.s32 v26, v55  }
0x63: {  	v59 =	vmul.u32 $0x64, v44;
	v60 =	vld [tilespmem:$0x1F0];
	[tilespmem:$0x170] =	vst v3;
	v3 =	vadd.s32 v40, v6  }
0x64: {  	v61 =	vld [tilespmem:$0x460];
	v2 =	vadd.s32 v2, v4;
	[tilespmem:$0x180] =	vst v3;
	v3 =	vmul.u32 $0x64, v48  }
0x65: {  	v63 =	vld [tilespmem:$0x470];
	v62 =	vmul.u32 $0x64, v52;
	[tilespmem:$0x190] =	vst v2;
	v2 =	vadd.s32 v46, v59  }
0x66: {  	[tilespmem:$0x1A0] =	vst v2;
	v2 =	vadd.s32 v50, v3;
	v3 =	vmul.u32 $0x64, v56  }
0x67: {  	v5 =	vmul.u32 $0x64, v58;
	[tilespmem:$0x1B0] =	vst v2;
	v2 =	vadd.s32 v54, v62  }
0x68: {  	s10 =	spop (v2sf);
	[tilespmem:$0x1C0] =	vst v2;
	v2 =	vadd.s32 v57, v3;
	v3 =	vmul.u32 $0x64, v60  }
0x69: {  	s0 =	sshll.u32 s10, $0x9;
	[tilespmem:$0x1D0] =	vst v2;
	v2 =	vadd.s32 v61, v5  }
0x6a: {  	s0 =	sand.u32 $0x1FFFFE00, s0;
	[tilespmem:$0x1E0] =	vst v2;
	v2 =	vadd.s32 v63, v3  }
0x6b: {  	s0 =	sadd.s32 s3, s0;
	[tilespmem:$0x1F0] =	vst v2  }
0x6c: {  	[tilespmem:s12], [sflag:$0x1] =	stream.linear.gather [hbm4b:s0+s2], $0x1000, $0x38;
	[tilespmem:$0x18700] =	vst v63  }
0x6d: {  	v2 =	vld [tilespmem:$0x1];
	_ =	sdelay $0x4  }
0x6e: {  	(v2sf) =	vpush v2, $0x0;
	_ =	sdelay $0xe  }
0x6f: {  	s11 =	spop (v2sf)  }
0x70: {  	s0 =	sshll.u32 s11, $0x9  }
0x71: {  	s0 =	sand.u32 $0x1FFFFE00, s0  }
0x72: {  	s0 =	sadd.s32 s3, s0  }
0x73: {  	[tilespmem:s13], [sflag:$0x2] =	stream.linear.gather [hbm4b:s0+s2], $0x1000, $0x38;
	[tilespmem:$0x18700] =	vst v63  }
0x74: {  	v2 =	vld [tilespmem:$0x2];
	_ =	sdelay $0x4  }
0x75: {  	(v2sf) =	vpush v2, $0x0;
	_ =	sdelay $0xe  }
0x76: {  	s29 =	spop (v2sf)  }
0x77: {  	s0 =	sshll.u32 s29, $0x9  }
0x78: {  	s0 =	sand.u32 $0x1FFFFE00, s0  }
0x79: {  	s0 =	sadd.s32 s3, s0  }
0x7a: {  	[tilespmem:s14], [sflag:$0x3] =	stream.linear.gather [hbm4b:s0+s2], $0x1000, $0x38;
	[tilespmem:$0x18700] =	vst v63  }
0x7b: {  	v2 =	vld [tilespmem:$0x3];
	_ =	sdelay $0x4  }
0x7c: {  	(v2sf) =	vpush v2, $0x0;
	_ =	sdelay $0xe  }
0x7d: {  	s1 =	spop (v2sf)  }
0x7e: {  	s0 =	sshll.u32 s1, $0x9  }
0x7f: {  	s0 =	sand.u32 $0x1FFFFE00, s0  }
0x80: {  	s0 =	sadd.s32 s3, s0  }
0x81: {  	[tilespmem:s15], [sflag:$0x4] =	stream.linear.gather [hbm4b:s0+s2], $0x1000, $0x38;
	[tilespmem:$0x18700] =	vst v63  }
0x82: {  	v2 =	vld [tilespmem:$0x4];
	_ =	sdelay $0x4  }
0x83: {  	(v2sf) =	vpush v2, $0x0;
	_ =	sdelay $0xe  }
0x84: {  	s4 =	spop (v2sf)  }
0x85: {  	s0 =	sshll.u32 s4, $0x9  }
0x86: {  	s0 =	sand.u32 $0x1FFFFE00, s0  }
0x87: {  	s0 =	sadd.s32 s3, s0  }
0x88: {  	[tilespmem:s16], [sflag:$0x5] =	stream.linear.gather [hbm4b:s0+s2], $0x1000, $0x38;
	[tilespmem:$0x18700] =	vst v63  }
0x89: {  	v2 =	vld [tilespmem:$0x5];
	_ =	sdelay $0x4  }
0x8a: {  	(v2sf) =	vpush v2, $0x0;
	_ =	sdelay $0xe  }
0x8b: {  	s10 =	spop (v2sf)  }
0x8c: {  	s0 =	sshll.u32 s10, $0x9  }
0x8d: {  	s0 =	sand.u32 $0x1FFFFE00, s0  }
0x8e: {  	s0 =	sadd.s32 s3, s0  }
0x8f: {  	[tilespmem:s17], [sflag:$0x6] =	stream.linear.gather [hbm4b:s0+s2], $0x1000, $0x38;
	[tilespmem:$0x18700] =	vst v63  }
0x90: {  	v2 =	vld [tilespmem:$0x6];
	_ =	sdelay $0x4  }
0x91: {  	(v2sf) =	vpush v2, $0x0;
	_ =	sdelay $0xe  }
0x92: {  	s11 =	spop (v2sf)  }
0x93: {  	s0 =	sshll.u32 s11, $0x9  }
0x94: {  	s0 =	sand.u32 $0x1FFFFE00, s0  }
0x95: {  	s0 =	sadd.s32 s3, s0  }
0x96: {  	[tilespmem:s18], [sflag:$0x7] =	stream.linear.gather [hbm4b:s0+s2], $0x1000, $0x38;
	[tilespmem:$0x18700] =	vst v63  }
0x97: {  	v2 =	vld [tilespmem:$0x7];
	_ =	sdelay $0x4  }
0x98: {  	(v2sf) =	vpush v2, $0x0;
	_ =	sdelay $0xe  }
0x99: {  	s29 =	spop (v2sf)  }
0x9a: {  	s0 =	sshll.u32 s29, $0x9  }
0x9b: {  	s0 =	sand.u32 $0x1FFFFE00, s0  }
0x9c: {  	s0 =	sadd.s32 s3, s0  }
0x9d: {  	[tilespmem:s19], [sflag:$0x8] =	stream.linear.gather [hbm4b:s0+s2], $0x1000, $0x38;
	[tilespmem:$0x18700] =	vst v63  }
0x9e: {  	s31 =	simm.s32 $0x8900;
	s0 =	simm.s32 $0x0  }
.LBB2_2:
0x9f: {  	s1 =	sshra.s32 s0, $0x2  }
0xa0: {  	v2 =	vld.msk [tilespmem:s1+$0x480 ss:$0x0], $0xffff;
	_ =	sdelay $0x4  }
0xa1: {  	v3 =	vadd.s32 v0, v2  }
0xa2: {  	v2 =	vadd.s32 v1, v2  }
0xa3: {  	_ =	swait.ge [sflag:s20], $0x1000  }
0xa4: {  	[sflag:s20] =	ssyncset.done $0x0  }
0xa5: {  	[sflag:s20] =	ssyncadd.s32 $0xFFFFF000  }
0xa6: {  	v3 =	vld.idx.msk [tilespmem:v3+s12+$0x0], $0xffff  }
0xa7: {  	v2 =	vld.idx.msk [tilespmem:v2+s12+$0x0], $0xffff;
	_ =	sdelay $0x3  }
0xa8: {  	p0 =	seq.s32 s0, $0x7E0;
	[tilespmem:s31+$0xFFFFFE00] =	vst v3  }
0xa9: {  	s10 =	sshra.s32 @!p0 s0, $0x2;
	[tilespmem:s31+$0xFFFFFE10] =	vst v2  }
0xaa: {  	v2 =	vld @!p0 [tilespmem:s10+$0x8];
	_ =	sdelay $0x4  }
0xab: {  	(v2sf) =	vpush @!p0 v2, $0x0;
	_ =	sdelay $0xe  }
0xac: {  	s11 =	spop @!p0 (v2sf)  }
0xad: {  	s11 =	sshll.u32 @!p0 s11, $0x9  }
0xae: {  	s11 =	sand.u32 @!p0 $0x1FFFFE00, s11  }
0xaf: {  	s4 =	simm.s32 @!p0 $0x700;
	s29 =	sadd.s32 @!p0 s3, s11;
	s11 =	simm.s32 @!p0 $0x0  }
0xb0: {  	[tilespmem:s4], [sflag:$0x1] =	stream.linear.gather @!p0 [hbm4b:s29+s11], $0x1000, $0x38;
	[tilespmem:$0x18700] =	vst v63  }
0xb1: {  	v2 =	vld.msk [tilespmem:s1+$0x481 ss:$0x0], $0xffff;
	_ =	sdelay $0x4  }
0xb2: {  	v3 =	vadd.s32 v0, v2  }
0xb3: {  	v2 =	vadd.s32 v1, v2  }
0xb4: {  	_ =	swait.ge [sflag:s21], $0x1000  }
0xb5: {  	[sflag:s21] =	ssyncset.done $0x0  }
0xb6: {  	[sflag:s21] =	ssyncadd.s32 $0xFFFFF000  }
0xb7: {  	v3 =	vld.idx.msk [tilespmem:v3+s13+$0x0], $0xffff  }
0xb8: {  	v2 =	vld.idx.msk [tilespmem:v2+s13+$0x0], $0xffff;
	_ =	sdelay $0x3  }
0xb9: {  	[tilespmem:s31+$0xFFFFFE80] =	vst v3  }
0xba: {  	[tilespmem:s31+$0xFFFFFE90] =	vst v2  }
0xbb: {  	v2 =	vld @!p0 [tilespmem:s10+$0x9];
	_ =	sdelay $0x4  }
0xbc: {  	(v2sf) =	vpush @!p0 v2, $0x0;
	_ =	sdelay $0xe  }
0xbd: {  	s4 =	spop @!p0 (v2sf)  }
0xbe: {  	s4 =	sshll.u32 @!p0 s4, $0x9  }
0xbf: {  	s4 =	sand.u32 @!p0 $0x1FFFFE00, s4  }
0xc0: {  	s29 =	simm.s32 @!p0 $0x1700;
	s4 =	sadd.s32 @!p0 s3, s4  }
0xc1: {  	[tilespmem:s29], [sflag:$0x2] =	stream.linear.gather @!p0 [hbm4b:s4+s11], $0x1000, $0x38;
	[tilespmem:$0x18700] =	vst v63  }
0xc2: {  	v2 =	vld.msk [tilespmem:s1+$0x482 ss:$0x0], $0xffff;
	_ =	sdelay $0x4  }
0xc3: {  	v3 =	vadd.s32 v0, v2  }
0xc4: {  	v2 =	vadd.s32 v1, v2  }
0xc5: {  	_ =	swait.ge [sflag:s22], $0x1000  }
0xc6: {  	[sflag:s22] =	ssyncset.done $0x0  }
0xc7: {  	[sflag:s22] =	ssyncadd.s32 $0xFFFFF000  }
0xc8: {  	v3 =	vld.idx.msk [tilespmem:v3+s14+$0x0], $0xffff  }
0xc9: {  	v2 =	vld.idx.msk [tilespmem:v2+s14+$0x0], $0xffff;
	_ =	sdelay $0x3  }
0xca: {  	[tilespmem:s31+$0xFFFFFF00] =	vst v3  }
0xcb: {  	[tilespmem:s31+$0xFFFFFF10] =	vst v2  }
0xcc: {  	v2 =	vld @!p0 [tilespmem:s10+$0xA];
	_ =	sdelay $0x4  }
0xcd: {  	(v2sf) =	vpush @!p0 v2, $0x0;
	_ =	sdelay $0xe  }
0xce: {  	s4 =	spop @!p0 (v2sf)  }
0xcf: {  	s4 =	sshll.u32 @!p0 s4, $0x9  }
0xd0: {  	s4 =	sand.u32 @!p0 $0x1FFFFE00, s4  }
0xd1: {  	s29 =	simm.s32 @!p0 $0x2700;
	s4 =	sadd.s32 @!p0 s3, s4  }
0xd2: {  	[tilespmem:s29], [sflag:$0x3] =	stream.linear.gather @!p0 [hbm4b:s4+s11], $0x1000, $0x38;
	[tilespmem:$0x18700] =	vst v63  }
0xd3: {  	v2 =	vld.msk [tilespmem:s1+$0x483 ss:$0x0], $0xffff;
	_ =	sdelay $0x4  }
0xd4: {  	v3 =	vadd.s32 v0, v2  }
0xd5: {  	v2 =	vadd.s32 v1, v2  }
0xd6: {  	_ =	swait.ge [sflag:s23], $0x1000  }
0xd7: {  	[sflag:s23] =	ssyncset.done $0x0  }
0xd8: {  	[sflag:s23] =	ssyncadd.s32 $0xFFFFF000  }
0xd9: {  	v3 =	vld.idx.msk [tilespmem:v3+s15+$0x0], $0xffff  }
0xda: {  	v2 =	vld.idx.msk [tilespmem:v2+s15+$0x0], $0xffff;
	_ =	sdelay $0x3  }
0xdb: {  	[tilespmem:s31+$0xFFFFFF80] =	vst v3  }
0xdc: {  	[tilespmem:s31+$0xFFFFFF90] =	vst v2  }
0xdd: {  	v2 =	vld @!p0 [tilespmem:s10+$0xB];
	_ =	sdelay $0x4  }
0xde: {  	(v2sf) =	vpush @!p0 v2, $0x0;
	_ =	sdelay $0xe  }
0xdf: {  	s4 =	spop @!p0 (v2sf)  }
0xe0: {  	s4 =	sshll.u32 @!p0 s4, $0x9  }
0xe1: {  	s4 =	sand.u32 @!p0 $0x1FFFFE00, s4  }
0xe2: {  	s29 =	simm.s32 @!p0 $0x3700;
	s4 =	sadd.s32 @!p0 s3, s4  }
0xe3: {  	[tilespmem:s29], [sflag:$0x4] =	stream.linear.gather @!p0 [hbm4b:s4+s11], $0x1000, $0x38;
	[tilespmem:$0x18700] =	vst v63  }
0xe4: {  	v2 =	vld.msk [tilespmem:s1+$0x484 ss:$0x0], $0xffff;
	_ =	sdelay $0x4  }
0xe5: {  	v3 =	vadd.s32 v0, v2  }
0xe6: {  	v2 =	vadd.s32 v1, v2  }
0xe7: {  	_ =	swait.ge [sflag:s24], $0x1000  }
0xe8: {  	[sflag:s24] =	ssyncset.done $0x0  }
0xe9: {  	[sflag:s24] =	ssyncadd.s32 $0xFFFFF000  }
0xea: {  	v3 =	vld.idx.msk [tilespmem:v3+s16+$0x0], $0xffff  }
0xeb: {  	v2 =	vld.idx.msk [tilespmem:v2+s16+$0x0], $0xffff;
	_ =	sdelay $0x3  }
0xec: {  	[tilespmem:s31+$0x0] =	vst v3  }
0xed: {  	[tilespmem:s31+$0x10] =	vst v2  }
0xee: {  	v2 =	vld @!p0 [tilespmem:s10+$0xC];
	_ =	sdelay $0x4  }
0xef: {  	(v2sf) =	vpush @!p0 v2, $0x0;
	_ =	sdelay $0xe  }
0xf0: {  	s4 =	spop @!p0 (v2sf)  }
0xf1: {  	s4 =	sshll.u32 @!p0 s4, $0x9  }
0xf2: {  	s4 =	sand.u32 @!p0 $0x1FFFFE00, s4  }
0xf3: {  	s29 =	simm.s32 @!p0 $0x4700;
	s4 =	sadd.s32 @!p0 s3, s4  }
0xf4: {  	[tilespmem:s29], [sflag:$0x5] =	stream.linear.gather @!p0 [hbm4b:s4+s11], $0x1000, $0x38;
	[tilespmem:$0x18700] =	vst v63  }
0xf5: {  	v2 =	vld.msk [tilespmem:s1+$0x485 ss:$0x0], $0xffff;
	_ =	sdelay $0x4  }
0xf6: {  	v3 =	vadd.s32 v0, v2  }
0xf7: {  	v2 =	vadd.s32 v1, v2  }
0xf8: {  	_ =	swait.ge [sflag:s25], $0x1000  }
0xf9: {  	[sflag:s25] =	ssyncset.done $0x0  }
0xfa: {  	[sflag:s25] =	ssyncadd.s32 $0xFFFFF000  }
0xfb: {  	v3 =	vld.idx.msk [tilespmem:v3+s17+$0x0], $0xffff  }
0xfc: {  	v2 =	vld.idx.msk [tilespmem:v2+s17+$0x0], $0xffff;
	_ =	sdelay $0x3  }
0xfd: {  	[tilespmem:s31+$0x80] =	vst v3  }
0xfe: {  	[tilespmem:s31+$0x90] =	vst v2  }
0xff: {  	v2 =	vld @!p0 [tilespmem:s10+$0xD];
	_ =	sdelay $0x4  }
0x100: {  	(v2sf) =	vpush @!p0 v2, $0x0;
	_ =	sdelay $0xe  }
0x101: {  	s4 =	spop @!p0 (v2sf)  }
0x102: {  	s4 =	sshll.u32 @!p0 s4, $0x9  }
0x103: {  	s4 =	sand.u32 @!p0 $0x1FFFFE00, s4  }
0x104: {  	s29 =	simm.s32 @!p0 $0x5700;
	s4 =	sadd.s32 @!p0 s3, s4  }
0x105: {  	[tilespmem:s29], [sflag:$0x6] =	stream.linear.gather @!p0 [hbm4b:s4+s11], $0x1000, $0x38;
	[tilespmem:$0x18700] =	vst v63  }
0x106: {  	v2 =	vld.msk [tilespmem:s1+$0x486 ss:$0x0], $0xffff;
	_ =	sdelay $0x4  }
0x107: {  	v3 =	vadd.s32 v0, v2  }
0x108: {  	v2 =	vadd.s32 v1, v2  }
0x109: {  	_ =	swait.ge [sflag:s26], $0x1000  }
0x10a: {  	[sflag:s26] =	ssyncset.done $0x0  }
0x10b: {  	[sflag:s26] =	ssyncadd.s32 $0xFFFFF000  }
0x10c: {  	v3 =	vld.idx.msk [tilespmem:v3+s18+$0x0], $0xffff  }
0x10d: {  	v2 =	vld.idx.msk [tilespmem:v2+s18+$0x0], $0xffff;
	_ =	sdelay $0x3  }
0x10e: {  	[tilespmem:s31+$0x100] =	vst v3  }
0x10f: {  	[tilespmem:s31+$0x110] =	vst v2  }
0x110: {  	v2 =	vld @!p0 [tilespmem:s10+$0xE];
	_ =	sdelay $0x4  }
0x111: {  	(v2sf) =	vpush @!p0 v2, $0x0;
	_ =	sdelay $0xe  }
0x112: {  	s4 =	spop @!p0 (v2sf)  }
0x113: {  	s4 =	sshll.u32 @!p0 s4, $0x9  }
0x114: {  	s4 =	sand.u32 @!p0 $0x1FFFFE00, s4  }
0x115: {  	s10 =	simm.s32 @!p0 $0x6700;
	s4 =	sadd.s32 @!p0 s3, s4  }
0x116: {  	[tilespmem:s10], [sflag:$0x7] =	stream.linear.gather @!p0 [hbm4b:s4+s11], $0x1000, $0x38;
	[tilespmem:$0x18700] =	vst v63  }
0x117: {  	v2 =	vld.msk [tilespmem:s1+$0x487 ss:$0x0], $0xffff;
	_ =	sdelay $0x4  }
0x118: {  	v3 =	vadd.s32 v0, v2  }
0x119: {  	v2 =	vadd.s32 v1, v2  }
0x11a: {  	_ =	swait.ge [sflag:s28], $0x1000  }
0x11b: {  	[sflag:s28] =	ssyncset.done $0x0  }
0x11c: {  	[sflag:s28] =	ssyncadd.s32 $0xFFFFF000  }
0x11d: {  	v3 =	vld.idx.msk [tilespmem:v3+s19+$0x0], $0xffff  }
0x11e: {  	v2 =	vld.idx.msk [tilespmem:v2+s19+$0x0], $0xffff  }
.Ltmp2:
0x11f: {  	_ = 	snop;
	(pc) =	sbr.rel @p0 .LBB2_4-.Ltmp2, $3  }
0x120: {  	_ =	sdelay $0x1  }
0x121: {  	[tilespmem:s31+$0x180] =	vst v3  }
0x122: {  	[tilespmem:s31+$0x190] =	vst v2  }
0x123: {  	v2 =	vld [tilespmem:s1+$0xF];
	_ =	sdelay $0x4  }
0x124: {  	(v2sf) =	vpush v2, $0x0;
	_ =	sdelay $0xe  }
.Ltmp3:
0x125: {  	s29 =	spop (v2sf);
	(pc) =	sbr.rel .LBB2_2-.Ltmp3, $4  }
0x126: {  	s1 =	sshll.u32 s29, $0x9  }
0x127: {  	s1 =	sand.u32 $0x1FFFFE00, s1  }
0x128: {  	s0 =	sadd.s32 $0x20, s0;
	s31 =	sadd.s32 $0x400, s31;
	s1 =	sadd.s32 s3, s1  }
0x129: {  	[tilespmem:s19], [sflag:$0x8] =	stream.linear.gather [hbm4b:s1+s2], $0x1000, $0x38;
	[tilespmem:$0x18700] =	vst v63  }
.LBB2_5:
0x12a: {  	_ =	sfence.sel $0x180000  }
0x12b: {  	[bflag:$0x0] =	sbarrier.arrive $0xFFFF  }
0x12c: {  	_ =	strace $0x90000047  }
0x12d: {  	s0 =	stileid.u32;
	[bflag:$0x2] =	sbarrier.arrive $0xFFFF  }
0x12e: {  	p0 =	sne.s32 s0, $0x0;
	s0 =	rddreg [dreg:$0x4]  }
0x12f: {  	s0 =	sadd.s32 @!p0 $0x100000, s0  }
0x130: {  	[sflag:s0] =	ssyncadd.tile.s32 @!p0 $0x1;
	_ =	shalt  }
.Lfunc_end2:
_tile_overlayer_lowered:
.L_overlay_start_2:
0x131: {  	(tag) =	ssettag $0x2  }
0x132: {  	s0 =	rddreg [dreg:$0x0];
	s2 =	stileid.u32  }
0x133: {  	s1 =	rddreg [dreg:$0x1];
	p0 =	sne.s32 s2, $0x0  }
0x134: {  	s3 =	rddreg [dreg:$0x2];
	[bflag:$0x3] =	sbarrier.arrive $0xFFFF;
	s2 =	simm.s32 @!p0 $0x1C09  }
0x135: {  	[timem:s3], [sflag:s2] =	dma.local @!p0 [hbm:s0], s1  }
0x136: {  	s0 =	simm.s32 @!p0 $0x9  }
0x137: {  	_ =	swait.ge @!p0 [sflag:s0], s1  }
0x138: {  	s1 =	ssub.s32 @!p0 $0x0, s1;
	[sflag:s0] =	ssyncset.done @!p0 $0x0  }
0x139: {  	[sflag:s0] =	ssyncadd.s32 @!p0 s1  }
0x13a: {  	[bflag:$0x3] =	sbarrier.arrive $0xFFFF  }
0x13b: {  	_ =	shalt  }

</sc_bundles>
